<compile_context>
chip_gen: v7x
topology: tpu7x:2x2x1
jax: 0.10.2.dev20260603
libtpu: 0.0.44.dev20260713+nightly
codegen_flags: <defaults>
</compile_context>

<pallas_src>
import functools

import jax
import jax.numpy as jnp
from jax import lax
from jax.experimental import pallas as pl
from jax.experimental.pallas import tpu as pltpu
from jax.experimental.pallas import tpu_sc as plsc

TAG_LEN = 200
ATTR = 64
HIDDEN2 = 1024
LANES = 128
GRAN = 16
TAGS_PER_W = 8
N_TAG_WORKERS = TAG_LEN // TAGS_PER_W
NPACK = N_TAG_WORKERS + 1
OUT_W = NPACK * LANES


def _sc_gather(tag_hbm, category_hbm, tagT_hbm, categoryT_hbm,
               out_hbm, idx_v, cols_v, pack_v, sem):
    c = lax.axis_index("c")
    s = lax.axis_index("s")
    wid = s * 2 + c

    @pl.when(wid < N_TAG_WORKERS)
    def _tag_work():
        pltpu.sync_copy(tag_hbm.at[pl.ds(wid * TAGS_PER_W, TAGS_PER_W)],
                        idx_v.at[pl.ds(0, TAGS_PER_W)])
        idx = idx_v[...]
        bases = idx & jnp.full((16,), -LANES, jnp.int32)
        grans = idx & jnp.full((16,), LANES - GRAN, jnp.int32)
        copies = []
        for r in range(TAGS_PER_W):
            b_r = pl.multiple_of(bases[r], LANES)
            copies.append(pltpu.async_copy(
                tagT_hbm.at[pl.ds(0, ATTR), pl.ds(b_r, LANES)],
                cols_v.at[pl.ds(r * ATTR, ATTR)], sem))
        for cp in copies:
            cp.wait()
        gs = [pl.multiple_of(grans[r], GRAN) for r in range(TAGS_PER_W)]

        def fbody(f, carry):
            for r in range(TAGS_PER_W):
                pack_v[f, pl.ds(r * GRAN, GRAN)] = cols_v[r * ATTR + f,
                                                          pl.ds(gs[r], GRAN)]
            return carry

        lax.fori_loop(0, ATTR, fbody, 0)
        blk = pl.multiple_of(wid * LANES, LANES)
        pltpu.sync_copy(pack_v, out_hbm.at[pl.ds(0, ATTR), pl.ds(blk, LANES)])

    @pl.when(wid == N_TAG_WORKERS)
    def _category_work():
        pltpu.sync_copy(category_hbm, idx_v.at[pl.ds(0, 1)])
        idx = idx_v[...]
        b0 = pl.multiple_of(
            (idx & jnp.full((16,), -LANES, jnp.int32))[0], LANES)
        g0 = pl.multiple_of(
            (idx & jnp.full((16,), LANES - GRAN, jnp.int32))[0], GRAN)
        pltpu.async_copy(
            categoryT_hbm.at[pl.ds(0, ATTR), pl.ds(b0, LANES)],
            cols_v.at[pl.ds(0, ATTR)], sem).wait()

        def fbody(f, carry):
            pack_v[f, pl.ds(0, GRAN)] = cols_v[f, pl.ds(g0, GRAN)]
            for r in range(1, TAGS_PER_W):
                pack_v[f, pl.ds(r * GRAN, GRAN)] = jnp.zeros(
                    (GRAN,), jnp.float32)
            return carry

        lax.fori_loop(0, ATTR, fbody, 0)
        pltpu.sync_copy(pack_v, out_hbm.at[pl.ds(0, ATTR),
                                           pl.ds(N_TAG_WORKERS * LANES,
                                                 LANES)])


_sc_gather_call = functools.partial(
    pl.kernel,
    mesh=plsc.VectorSubcoreMesh(core_axis_name="c", subcore_axis_name="s"),
    out_type=jax.ShapeDtypeStruct((ATTR, OUT_W), jnp.float32),
    scratch_types=[
        pltpu.VMEM((16,), jnp.int32),
        pltpu.VMEM((TAGS_PER_W * ATTR, LANES), jnp.float32),
        pltpu.VMEM((ATTR, LANES), jnp.float32),
        pltpu.SemaphoreType.DMA,
    ],
)(_sc_gather)


def _dot(lhs, rhs, dims):
    return jax.lax.dot_general(
        lhs, rhs, (dims, ((), ())),
        preferred_element_type=jnp.float32,
        precision=jax.lax.Precision.HIGHEST)


def _tc_body(s_ref, rt_ref, r_ref, c_ref, selt_ref, wt_ref, b_ref,
             attr_ref, enc_ref):
    ohr = (lax.broadcasted_iota(jnp.int32, (1, 5), 1)
           == r_ref[...]).astype(jnp.float32)
    rat_vec = _dot(ohr, rt_ref[...], ((1,), (0,)))
    ohc = (lax.broadcasted_iota(jnp.int32, (1, GRAN), 1)
           == c_ref[...] % GRAN).astype(jnp.float32)
    cat_base = N_TAG_WORKERS * LANES
    cat_vec = _dot(ohc, s_ref[:, cat_base:cat_base + GRAN],
                   ((1,), (1,)))
    tag_vec = _dot(selt_ref[...], s_ref[:, :TAG_LEN * GRAN],
                   ((1,), (1,)))
    attr = jnp.concatenate([rat_vec, cat_vec, tag_vec], axis=1)
    attr_ref[...] = attr
    enc_ref[...] = jnp.tanh(_dot(attr, wt_ref[...], ((1,), (0,)))
                            + b_ref[...])


def kernel(rating, category, tag, emb_rating, emb_category, emb_tag, W, b):
    tag = tag.astype(jnp.int32)
    rating = rating.astype(jnp.int32)
    category = category.astype(jnp.int32)

    blocks = _sc_gather_call(tag, category, emb_tag.T, emb_category.T)

    selt = (jax.nn.one_hot(tag % GRAN, GRAN, dtype=jnp.float32)
            / TAG_LEN).reshape(1, TAG_LEN * GRAN)

    attr, enc = pl.pallas_call(
        _tc_body,
        out_shape=[
            jax.ShapeDtypeStruct((1, 3 * ATTR), jnp.float32),
            jax.ShapeDtypeStruct((1, HIDDEN2), jnp.float32),
        ],
    )(blocks, emb_rating, rating.reshape(1, 1), category.reshape(1, 1),
      selt, W.T, b.reshape(1, HIDDEN2))
    return (attr.reshape(1, 1, 3 * ATTR), enc.reshape(1, 1, HIDDEN2))

# --- scband reference (transcript-rebuilt; emitter-appended) ---
"""Pipeline reference for scband-encoder-14139032338582 (READ-ONLY COPY).

The authoritative reference and input builder live on the scoring server;
editing this copy changes nothing except your own understanding.
"""

import jax, jax.numpy as jnp
import numpy as np

RATING_SIZE = 5
CATEGORY_SIZE = 1000000
TAG_SIZE = 100000
ATTR = 64
HIDDEN = 512
NUM_LAYERS = 2
TAG_LEN = 200


def setup_inputs(seed: int = 0):
    key = jax.random.key(seed)
    ks = jax.random.split(key, 8)
    rating = jax.random.randint(ks[0], (1,), 0, RATING_SIZE)
    category = jax.random.randint(ks[1], (1,), 0, CATEGORY_SIZE)
    tag = jax.random.randint(ks[2], (TAG_LEN,), 0, TAG_SIZE)
    emb_rating = jax.random.uniform(ks[3], (RATING_SIZE, ATTR), minval=-0.08, maxval=0.08, dtype=jnp.float32)
    emb_category = jax.random.uniform(ks[4], (CATEGORY_SIZE, ATTR), minval=-0.08, maxval=0.08, dtype=jnp.float32)
    emb_tag = jax.random.uniform(ks[5], (TAG_SIZE, ATTR), minval=-0.08, maxval=0.08, dtype=jnp.float32)
    W = jax.random.uniform(ks[6], (HIDDEN * NUM_LAYERS, ATTR * 3), minval=-0.08, maxval=0.08, dtype=jnp.float32)
    b = jax.random.uniform(ks[7], (HIDDEN * NUM_LAYERS,), minval=-0.08, maxval=0.08, dtype=jnp.float32)
    return {"rating": rating, "category": category, "tag": tag,
            "emb_rating": emb_rating, "emb_category": emb_category, "emb_tag": emb_tag,
            "W": W, "b": b}


def reference(rating, category, tag, emb_rating, emb_category, emb_tag, W, b):
    attr_rating = jnp.take(emb_rating, rating, axis=0).reshape(1, 1, -1)
    attr_category = jnp.take(emb_category, category, axis=0).reshape(1, 1, -1)
    attr_tag = jnp.sum(jnp.take(emb_tag, tag, axis=0), axis=0) / tag.shape[0]
    attr_tag = attr_tag.reshape(1, 1, -1)
    attr = jnp.concatenate((attr_rating, attr_category, attr_tag), axis=2)
    out = attr @ W.T + b
    encoder_output = jnp.tanh(out)
    return (attr, encoder_output)

if __name__ == "__main__":
    import jax
    _d = setup_inputs()
    print(jax.jit(kernel)(*tuple(_d.values())))

</pallas_src>

<mosaic_0001>
#map = affine_map<(d0, d1) -> (0)>
#map1 = affine_map<(d0, d1) -> (0, 0)>
module attributes {stable_mosaic.version = 14 : i64} {
  func.func @_sc_gather(%arg0: i32, %arg1: i32, %arg2: memref<200xi32, #tpu.memory_space<hbm>>, %arg3: memref<1xi32, #tpu.memory_space<hbm>>, %arg4: memref<64x100000xf32, #tpu.memory_space<hbm>>, %arg5: memref<64x1000000xf32, #tpu.memory_space<hbm>>, %arg6: memref<64x3328xf32, #tpu.memory_space<hbm>>, %arg7: memref<16xi32, #tpu.memory_space<vmem>>, %arg8: memref<512x128xf32, #tpu.memory_space<vmem>>, %arg9: memref<64x128xf32, #tpu.memory_space<vmem>>, %arg10: memref<!tpu.dma_semaphore, #tpu.memory_space<semaphore_mem>>) attributes {dimension_semantics = [#tpu.dimension_semantics<core_parallel>, #tpu.dimension_semantics<subcore_parallel>], iteration_bounds = array<i64: 2, 16>, scalar_prefetch = 0 : i64, scratch_operands = 4 : i64, tpu.core_type = #tpu.core_type<sc_vector_subcore>, window_params = [{transform_indices = #map}, {transform_indices = #map}, {transform_indices = #map1}, {transform_indices = #map1}, {transform_indices = #map1}]} {
    %mul3A = arith.constant 2 : i32
    %mul3A_0 = arith.muli %arg1, %mul3A : i32
    %add3A = arith.addi %mul3A_0, %arg0 : i32
    %lt3A = arith.constant 25 : i32
    %lt3A_1 = arith.cmpi slt, %add3A, %lt3A : i32
    %convert_element_type3A = arith.extui %lt3A_1 : i1 to i32
    %cond3A = arith.constant 0 : i32
    %cond3A_2 = arith.cmpi ne, %convert_element_type3A, %cond3A : i32
    scf.if %cond3A_2 {
      %mul3A_7 = arith.constant 8 : i32
      %mul3A_8 = arith.muli %add3A, %mul3A_7 : i32
      "tpu.region"() ({
        %run_scoped3A = tpu.sem_alloc : memref<!tpu.dma_semaphore, #tpu.memory_space<semaphore_mem>>
        %dma_start3A_226 = arith.constant 0 : i32
        %dma_start3A_227 = tpu.memref_slice %arg7[%dma_start3A_226] : memref<16xi32, #tpu.memory_space<vmem>> -> memref<8xi32, #tpu.memory_space<vmem>>
        %dma_start3A_228 = tpu.memref_slice %arg2[%mul3A_8] : memref<200xi32, #tpu.memory_space<hbm>> -> memref<8xi32, #tpu.memory_space<hbm>>
        %dma_start3A_229 = arith.constant 0 : i32
        %dma_start3A_230 = tpu.memref_slice %arg7[%dma_start3A_229] : memref<16xi32, #tpu.memory_space<vmem>> -> memref<8xi32, #tpu.memory_space<vmem>>
        %dma_start3A_231 = tpu.memref_slice %arg2[%mul3A_8] : memref<200xi32, #tpu.memory_space<hbm>> -> memref<8xi32, #tpu.memory_space<hbm>>
        tpu.enqueue_dma source(%dma_start3A_231 : memref<8xi32, #tpu.memory_space<hbm>>) target(%dma_start3A_230 : memref<8xi32, #tpu.memory_space<vmem>>) target_semaphore(%run_scoped3A : memref<!tpu.dma_semaphore, #tpu.memory_space<semaphore_mem>>)
        %dma_wait3A_232 = arith.constant 0 : i32
        %dma_wait3A_233 = tpu.memref_slice %arg7[%dma_wait3A_232] : memref<16xi32, #tpu.memory_space<vmem>> -> memref<8xi32, #tpu.memory_space<vmem>>
        %dma_wait3A_234 = tpu.memref_slice %arg2[%mul3A_8] : memref<200xi32, #tpu.memory_space<hbm>> -> memref<8xi32, #tpu.memory_space<hbm>>
        %dma_wait3A_235 = arith.constant 0 : i32
        %dma_wait3A_236 = tpu.memref_slice %arg7[%dma_wait3A_235] : memref<16xi32, #tpu.memory_space<vmem>> -> memref<8xi32, #tpu.memory_space<vmem>>
        %dma_wait3A_237 = tpu.memref_slice %arg2[%mul3A_8] : memref<200xi32, #tpu.memory_space<hbm>> -> memref<8xi32, #tpu.memory_space<hbm>>
        tpu.wait_dma2 semaphore(%run_scoped3A : memref<!tpu.dma_semaphore, #tpu.memory_space<semaphore_mem>>) src(%dma_wait3A_237 : memref<8xi32, #tpu.memory_space<hbm>>) dst(%dma_wait3A_236 : memref<8xi32, #tpu.memory_space<vmem>>)
        tpu.yield
      }) : () -> ()
      %get3A = arith.constant 0 : index
      %get3A_9 = tpu.vector_load %arg7[%get3A] {strides = array<i32>} : memref<16xi32, #tpu.memory_space<vmem>>, vector<16xi32>,
      %get3A_10 = vector.shape_cast %get3A_9 : vector<16xi32> to vector<16xi32>
      %broadcast_in_dim3A = arith.constant -128 : i32
      %broadcast_in_dim3A_11 = vector.broadcast %broadcast_in_dim3A : i32 to vector<16xi32>
      %and3A = arith.andi %get3A_10, %broadcast_in_dim3A_11 : vector<16xi32>
      %broadcast_in_dim3A_12 = arith.constant 112 : i32
      %broadcast_in_dim3A_13 = vector.broadcast %broadcast_in_dim3A_12 : i32 to vector<16xi32>
      %and3A_14 = arith.andi %get3A_10, %broadcast_in_dim3A_13 : vector<16xi32>
      %slice3A = vector.extract_strided_slice %and3A {offsets = [0], sizes = [1], strides = [1]} : vector<16xi32> to vector<1xi32>
      %squeeze3A = vector.extract %slice3A[0] : i32 from vector<1xi32>
      %multiple_of3A = tpu.assume_multiple %squeeze3A, 128 : i32
      %dma_start3A = arith.constant 0 : i32
      %dma_start3A_15 = arith.constant 0 : i32
      %dma_start3A_16 = tpu.memref_slice %arg8[%dma_start3A, %dma_start3A_15] : memref<512x128xf32, #tpu.memory_space<vmem>> -> memref<64x128xf32, #tpu.memory_space<vmem>>
      %dma_start3A_17 = arith.constant 0 : i32
      %dma_start3A_18 = tpu.memref_slice %arg4[%dma_start3A_17, %multiple_of3A] : memref<64x100000xf32, #tpu.memory_space<hbm>> -> memref<64x128xf32, #tpu.memory_space<hbm>>
      %dma_start3A_19 = arith.constant 0 : i32
      %dma_start3A_20 = arith.constant 0 : i32
      %dma_start3A_21 = tpu.memref_slice %arg8[%dma_start3A_19, %dma_start3A_20] : memref<512x128xf32, #tpu.memory_space<vmem>> -> memref<64x128xf32, #tpu.memory_space<vmem>>
      %dma_start3A_22 = arith.constant 0 : i32
      %dma_start3A_23 = tpu.memref_slice %arg4[%dma_start3A_22, %multiple_of3A] : memref<64x100000xf32, #tpu.memory_space<hbm>> -> memref<64x128xf32, #tpu.memory_space<hbm>>
      tpu.enqueue_dma source(%dma_start3A_23 : memref<64x128xf32, #tpu.memory_space<hbm>>) target(%dma_start3A_21 : memref<64x128xf32, #tpu.memory_space<vmem>>) target_semaphore(%arg10 : memref<!tpu.dma_semaphore, #tpu.memory_space<semaphore_mem>>)
      %slice3A_24 = vector.extract_strided_slice %and3A {offsets = [1], sizes = [1], strides = [1]} : vector<16xi32> to vector<1xi32>
      %squeeze3A_25 = vector.extract %slice3A_24[0] : i32 from vector<1xi32>
      %multiple_of3A_26 = tpu.assume_multiple %squeeze3A_25, 128 : i32
      %dma_start3A_27 = arith.constant 64 : i32
      %dma_start3A_28 = arith.constant 0 : i32
      %dma_start3A_29 = tpu.memref_slice %arg8[%dma_start3A_27, %dma_start3A_28] : memref<512x128xf32, #tpu.memory_space<vmem>> -> memref<64x128xf32, #tpu.memory_space<vmem>>
      %dma_start3A_30 = arith.constant 0 : i32
      %dma_start3A_31 = tpu.memref_slice %arg4[%dma_start3A_30, %multiple_of3A_26] : memref<64x100000xf32, #tpu.memory_space<hbm>> -> memref<64x128xf32, #tpu.memory_space<hbm>>
      %dma_start3A_32 = arith.constant 64 : i32
      %dma_start3A_33 = arith.constant 0 : i32
      %dma_start3A_34 = tpu.memref_slice %arg8[%dma_start3A_32, %dma_start3A_33] : memref<512x128xf32, #tpu.memory_space<vmem>> -> memref<64x128xf32, #tpu.memory_space<vmem>>
      %dma_start3A_35 = arith.constant 0 : i32
      %dma_start3A_36 = tpu.memref_slice %arg4[%dma_start3A_35, %multiple_of3A_26] : memref<64x100000xf32, #tpu.memory_space<hbm>> -> memref<64x128xf32, #tpu.memory_space<hbm>>
      tpu.enqueue_dma source(%dma_start3A_36 : memref<64x128xf32, #tpu.memory_space<hbm>>) target(%dma_start3A_34 : memref<64x128xf32, #tpu.memory_space<vmem>>) target_semaphore(%arg10 : memref<!tpu.dma_semaphore, #tpu.memory_space<semaphore_mem>>)
      %slice3A_37 = vector.extract_strided_slice %and3A {offsets = [2], sizes = [1], strides = [1]} : vector<16xi32> to vector<1xi32>
      %squeeze3A_38 = vector.extract %slice3A_37[0] : i32 from vector<1xi32>
      %multiple_of3A_39 = tpu.assume_multiple %squeeze3A_38, 128 : i32
      %dma_start3A_40 = arith.constant 128 : i32
      %dma_start3A_41 = arith.constant 0 : i32
      %dma_start3A_42 = tpu.memref_slice %arg8[%dma_start3A_40, %dma_start3A_41] : memref<512x128xf32, #tpu.memory_space<vmem>> -> memref<64x128xf32, #tpu.memory_space<vmem>>
      %dma_start3A_43 = arith.constant 0 : i32
      %dma_start3A_44 = tpu.memref_slice %arg4[%dma_start3A_43, %multiple_of3A_39] : memref<64x100000xf32, #tpu.memory_space<hbm>> -> memref<64x128xf32, #tpu.memory_space<hbm>>
      %dma_start3A_45 = arith.constant 128 : i32
      %dma_start3A_46 = arith.constant 0 : i32
      %dma_start3A_47 = tpu.memref_slice %arg8[%dma_start3A_45, %dma_start3A_46] : memref<512x128xf32, #tpu.memory_space<vmem>> -> memref<64x128xf32, #tpu.memory_space<vmem>>
      %dma_start3A_48 = arith.constant 0 : i32
      %dma_start3A_49 = tpu.memref_slice %arg4[%dma_start3A_48, %multiple_of3A_39] : memref<64x100000xf32, #tpu.memory_space<hbm>> -> memref<64x128xf32, #tpu.memory_space<hbm>>
      tpu.enqueue_dma source(%dma_start3A_49 : memref<64x128xf32, #tpu.memory_space<hbm>>) target(%dma_start3A_47 : memref<64x128xf32, #tpu.memory_space<vmem>>) target_semaphore(%arg10 : memref<!tpu.dma_semaphore, #tpu.memory_space<semaphore_mem>>)
      %slice3A_50 = vector.extract_strided_slice %and3A {offsets = [3], sizes = [1], strides = [1]} : vector<16xi32> to vector<1xi32>
      %squeeze3A_51 = vector.extract %slice3A_50[0] : i32 from vector<1xi32>
      %multiple_of3A_52 = tpu.assume_multiple %squeeze3A_51, 128 : i32
      %dma_start3A_53 = arith.constant 192 : i32
      %dma_start3A_54 = arith.constant 0 : i32
      %dma_start3A_55 = tpu.memref_slice %arg8[%dma_start3A_53, %dma_start3A_54] : memref<512x128xf32, #tpu.memory_space<vmem>> -> memref<64x128xf32, #tpu.memory_space<vmem>>
      %dma_start3A_56 = arith.constant 0 : i32
      %dma_start3A_57 = tpu.memref_slice %arg4[%dma_start3A_56, %multiple_of3A_52] : memref<64x100000xf32, #tpu.memory_space<hbm>> -> memref<64x128xf32, #tpu.memory_space<hbm>>
      %dma_start3A_58 = arith.constant 192 : i32
      %dma_start3A_59 = arith.constant 0 : i32
      %dma_start3A_60 = tpu.memref_slice %arg8[%dma_start3A_58, %dma_start3A_59] : memref<512x128xf32, #tpu.memory_space<vmem>> -> memref<64x128xf32, #tpu.memory_space<vmem>>
      %dma_start3A_61 = arith.constant 0 : i32
      %dma_start3A_62 = tpu.memref_slice %arg4[%dma_start3A_61, %multiple_of3A_52] : memref<64x100000xf32, #tpu.memory_space<hbm>> -> memref<64x128xf32, #tpu.memory_space<hbm>>
      tpu.enqueue_dma source(%dma_start3A_62 : memref<64x128xf32, #tpu.memory_space<hbm>>) target(%dma_start3A_60 : memref<64x128xf32, #tpu.memory_space<vmem>>) target_semaphore(%arg10 : memref<!tpu.dma_semaphore, #tpu.memory_space<semaphore_mem>>)
      %slice3A_63 = vector.extract_strided_slice %and3A {offsets = [4], sizes = [1], strides = [1]} : vector<16xi32> to vector<1xi32>
      %squeeze3A_64 = vector.extract %slice3A_63[0] : i32 from vector<1xi32>
      %multiple_of3A_65 = tpu.assume_multiple %squeeze3A_64, 128 : i32
      %dma_start3A_66 = arith.constant 256 : i32
      %dma_start3A_67 = arith.constant 0 : i32
      %dma_start3A_68 = tpu.memref_slice %arg8[%dma_start3A_66, %dma_start3A_67] : memref<512x128xf32, #tpu.memory_space<vmem>> -> memref<64x128xf32, #tpu.memory_space<vmem>>
      %dma_start3A_69 = arith.constant 0 : i32
      %dma_start3A_70 = tpu.memref_slice %arg4[%dma_start3A_69, %multiple_of3A_65] : memref<64x100000xf32, #tpu.memory_space<hbm>> -> memref<64x128xf32, #tpu.memory_space<hbm>>
      %dma_start3A_71 = arith.constant 256 : i32
      %dma_start3A_72 = arith.constant 0 : i32
      %dma_start3A_73 = tpu.memref_slice %arg8[%dma_start3A_71, %dma_start3A_72] : memref<512x128xf32, #tpu.memory_space<vmem>> -> memref<64x128xf32, #tpu.memory_space<vmem>>
      %dma_start3A_74 = arith.constant 0 : i32
      %dma_start3A_75 = tpu.memref_slice %arg4[%dma_start3A_74, %multiple_of3A_65] : memref<64x100000xf32, #tpu.memory_space<hbm>> -> memref<64x128xf32, #tpu.memory_space<hbm>>
      tpu.enqueue_dma source(%dma_start3A_75 : memref<64x128xf32, #tpu.memory_space<hbm>>) target(%dma_start3A_73 : memref<64x128xf32, #tpu.memory_space<vmem>>) target_semaphore(%arg10 : memref<!tpu.dma_semaphore, #tpu.memory_space<semaphore_mem>>)
      %slice3A_76 = vector.extract_strided_slice %and3A {offsets = [5], sizes = [1], strides = [1]} : vector<16xi32> to vector<1xi32>
      %squeeze3A_77 = vector.extract %slice3A_76[0] : i32 from vector<1xi32>
      %multiple_of3A_78 = tpu.assume_multiple %squeeze3A_77, 128 : i32
      %dma_start3A_79 = arith.constant 320 : i32
      %dma_start3A_80 = arith.constant 0 : i32
      %dma_start3A_81 = tpu.memref_slice %arg8[%dma_start3A_79, %dma_start3A_80] : memref<512x128xf32, #tpu.memory_space<vmem>> -> memref<64x128xf32, #tpu.memory_space<vmem>>
      %dma_start3A_82 = arith.constant 0 : i32
      %dma_start3A_83 = tpu.memref_slice %arg4[%dma_start3A_82, %multiple_of3A_78] : memref<64x100000xf32, #tpu.memory_space<hbm>> -> memref<64x128xf32, #tpu.memory_space<hbm>>
      %dma_start3A_84 = arith.constant 320 : i32
      %dma_start3A_85 = arith.constant 0 : i32
      %dma_start3A_86 = tpu.memref_slice %arg8[%dma_start3A_84, %dma_start3A_85] : memref<512x128xf32, #tpu.memory_space<vmem>> -> memref<64x128xf32, #tpu.memory_space<vmem>>
      %dma_start3A_87 = arith.constant 0 : i32
      %dma_start3A_88 = tpu.memref_slice %arg4[%dma_start3A_87, %multiple_of3A_78] : memref<64x100000xf32, #tpu.memory_space<hbm>> -> memref<64x128xf32, #tpu.memory_space<hbm>>
      tpu.enqueue_dma source(%dma_start3A_88 : memref<64x128xf32, #tpu.memory_space<hbm>>) target(%dma_start3A_86 : memref<64x128xf32, #tpu.memory_space<vmem>>) target_semaphore(%arg10 : memref<!tpu.dma_semaphore, #tpu.memory_space<semaphore_mem>>)
      %slice3A_89 = vector.extract_strided_slice %and3A {offsets = [6], sizes = [1], strides = [1]} : vector<16xi32> to vector<1xi32>
      %squeeze3A_90 = vector.extract %slice3A_89[0] : i32 from vector<1xi32>
      %multiple_of3A_91 = tpu.assume_multiple %squeeze3A_90, 128 : i32
      %dma_start3A_92 = arith.constant 384 : i32
      %dma_start3A_93 = arith.constant 0 : i32
      %dma_start3A_94 = tpu.memref_slice %arg8[%dma_start3A_92, %dma_start3A_93] : memref<512x128xf32, #tpu.memory_space<vmem>> -> memref<64x128xf32, #tpu.memory_space<vmem>>
      %dma_start3A_95 = arith.constant 0 : i32
      %dma_start3A_96 = tpu.memref_slice %arg4[%dma_start3A_95, %multiple_of3A_91] : memref<64x100000xf32, #tpu.memory_space<hbm>> -> memref<64x128xf32, #tpu.memory_space<hbm>>
      %dma_start3A_97 = arith.constant 384 : i32
      %dma_start3A_98 = arith.constant 0 : i32
      %dma_start3A_99 = tpu.memref_slice %arg8[%dma_start3A_97, %dma_start3A_98] : memref<512x128xf32, #tpu.memory_space<vmem>> -> memref<64x128xf32, #tpu.memory_space<vmem>>
      %dma_start3A_100 = arith.constant 0 : i32
      %dma_start3A_101 = tpu.memref_slice %arg4[%dma_start3A_100, %multiple_of3A_91] : memref<64x100000xf32, #tpu.memory_space<hbm>> -> memref<64x128xf32, #tpu.memory_space<hbm>>
      tpu.enqueue_dma source(%dma_start3A_101 : memref<64x128xf32, #tpu.memory_space<hbm>>) target(%dma_start3A_99 : memref<64x128xf32, #tpu.memory_space<vmem>>) target_semaphore(%arg10 : memref<!tpu.dma_semaphore, #tpu.memory_space<semaphore_mem>>)
      %slice3A_102 = vector.extract_strided_slice %and3A {offsets = [7], sizes = [1], strides = [1]} : vector<16xi32> to vector<1xi32>
      %squeeze3A_103 = vector.extract %slice3A_102[0] : i32 from vector<1xi32>
      %multiple_of3A_104 = tpu.assume_multiple %squeeze3A_103, 128 : i32
      %dma_start3A_105 = arith.constant 448 : i32
      %dma_start3A_106 = arith.constant 0 : i32
      %dma_start3A_107 = tpu.memref_slice %arg8[%dma_start3A_105, %dma_start3A_106] : memref<512x128xf32, #tpu.memory_space<vmem>> -> memref<64x128xf32, #tpu.memory_space<vmem>>
      %dma_start3A_108 = arith.constant 0 : i32
      %dma_start3A_109 = tpu.memref_slice %arg4[%dma_start3A_108, %multiple_of3A_104] : memref<64x100000xf32, #tpu.memory_space<hbm>> -> memref<64x128xf32, #tpu.memory_space<hbm>>
      %dma_start3A_110 = arith.constant 448 : i32
      %dma_start3A_111 = arith.constant 0 : i32
      %dma_start3A_112 = tpu.memref_slice %arg8[%dma_start3A_110, %dma_start3A_111] : memref<512x128xf32, #tpu.memory_space<vmem>> -> memref<64x128xf32, #tpu.memory_space<vmem>>
      %dma_start3A_113 = arith.constant 0 : i32
      %dma_start3A_114 = tpu.memref_slice %arg4[%dma_start3A_113, %multiple_of3A_104] : memref<64x100000xf32, #tpu.memory_space<hbm>> -> memref<64x128xf32, #tpu.memory_space<hbm>>
      tpu.enqueue_dma source(%dma_start3A_114 : memref<64x128xf32, #tpu.memory_space<hbm>>) target(%dma_start3A_112 : memref<64x128xf32, #tpu.memory_space<vmem>>) target_semaphore(%arg10 : memref<!tpu.dma_semaphore, #tpu.memory_space<semaphore_mem>>)
      %dma_wait3A = arith.constant 0 : i32
      %dma_wait3A_115 = arith.constant 0 : i32
      %dma_wait3A_116 = tpu.memref_slice %arg8[%dma_wait3A, %dma_wait3A_115] : memref<512x128xf32, #tpu.memory_space<vmem>> -> memref<64x128xf32, #tpu.memory_space<vmem>>
      %dma_wait3A_117 = arith.constant 0 : i32
      %dma_wait3A_118 = tpu.memref_slice %arg4[%dma_wait3A_117, %multiple_of3A] : memref<64x100000xf32, #tpu.memory_space<hbm>> -> memref<64x128xf32, #tpu.memory_space<hbm>>
      %dma_wait3A_119 = arith.constant 0 : i32
      %dma_wait3A_120 = arith.constant 0 : i32
      %dma_wait3A_121 = tpu.memref_slice %arg8[%dma_wait3A_119, %dma_wait3A_120] : memref<512x128xf32, #tpu.memory_space<vmem>> -> memref<64x128xf32, #tpu.memory_space<vmem>>
      %dma_wait3A_122 = arith.constant 0 : i32
      %dma_wait3A_123 = tpu.memref_slice %arg4[%dma_wait3A_122, %multiple_of3A] : memref<64x100000xf32, #tpu.memory_space<hbm>> -> memref<64x128xf32, #tpu.memory_space<hbm>>
      tpu.wait_dma2 semaphore(%arg10 : memref<!tpu.dma_semaphore, #tpu.memory_space<semaphore_mem>>) src(%dma_wait3A_123 : memref<64x128xf32, #tpu.memory_space<hbm>>) dst(%dma_wait3A_121 : memref<64x128xf32, #tpu.memory_space<vmem>>)
      %dma_wait3A_124 = arith.constant 64 : i32
      %dma_wait3A_125 = arith.constant 0 : i32
      %dma_wait3A_126 = tpu.memref_slice %arg8[%dma_wait3A_124, %dma_wait3A_125] : memref<512x128xf32, #tpu.memory_space<vmem>> -> memref<64x128xf32, #tpu.memory_space<vmem>>
      %dma_wait3A_127 = arith.constant 0 : i32
      %dma_wait3A_128 = tpu.memref_slice %arg4[%dma_wait3A_127, %multiple_of3A_26] : memref<64x100000xf32, #tpu.memory_space<hbm>> -> memref<64x128xf32, #tpu.memory_space<hbm>>
      %dma_wait3A_129 = arith.constant 64 : i32
      %dma_wait3A_130 = arith.constant 0 : i32
      %dma_wait3A_131 = tpu.memref_slice %arg8[%dma_wait3A_129, %dma_wait3A_130] : memref<512x128xf32, #tpu.memory_space<vmem>> -> memref<64x128xf32, #tpu.memory_space<vmem>>
      %dma_wait3A_132 = arith.constant 0 : i32
      %dma_wait3A_133 = tpu.memref_slice %arg4[%dma_wait3A_132, %multiple_of3A_26] : memref<64x100000xf32, #tpu.memory_space<hbm>> -> memref<64x128xf32, #tpu.memory_space<hbm>>
      tpu.wait_dma2 semaphore(%arg10 : memref<!tpu.dma_semaphore, #tpu.memory_space<semaphore_mem>>) src(%dma_wait3A_133 : memref<64x128xf32, #tpu.memory_space<hbm>>) dst(%dma_wait3A_131 : memref<64x128xf32, #tpu.memory_space<vmem>>)
      %dma_wait3A_134 = arith.constant 128 : i32
      %dma_wait3A_135 = arith.constant 0 : i32
      %dma_wait3A_136 = tpu.memref_slice %arg8[%dma_wait3A_134, %dma_wait3A_135] : memref<512x128xf32, #tpu.memory_space<vmem>> -> memref<64x128xf32, #tpu.memory_space<vmem>>
      %dma_wait3A_137 = arith.constant 0 : i32
      %dma_wait3A_138 = tpu.memref_slice %arg4[%dma_wait3A_137, %multiple_of3A_39] : memref<64x100000xf32, #tpu.memory_space<hbm>> -> memref<64x128xf32, #tpu.memory_space<hbm>>
      %dma_wait3A_139 = arith.constant 128 : i32
      %dma_wait3A_140 = arith.constant 0 : i32
      %dma_wait3A_141 = tpu.memref_slice %arg8[%dma_wait3A_139, %dma_wait3A_140] : memref<512x128xf32, #tpu.memory_space<vmem>> -> memref<64x128xf32, #tpu.memory_space<vmem>>
      %dma_wait3A_142 = arith.constant 0 : i32
      %dma_wait3A_143 = tpu.memref_slice %arg4[%dma_wait3A_142, %multiple_of3A_39] : memref<64x100000xf32, #tpu.memory_space<hbm>> -> memref<64x128xf32, #tpu.memory_space<hbm>>
      tpu.wait_dma2 semaphore(%arg10 : memref<!tpu.dma_semaphore, #tpu.memory_space<semaphore_mem>>) src(%dma_wait3A_143 : memref<64x128xf32, #tpu.memory_space<hbm>>) dst(%dma_wait3A_141 : memref<64x128xf32, #tpu.memory_space<vmem>>)
      %dma_wait3A_144 = arith.constant 192 : i32
      %dma_wait3A_145 = arith.constant 0 : i32
      %dma_wait3A_146 = tpu.memref_slice %arg8[%dma_wait3A_144, %dma_wait3A_145] : memref<512x128xf32, #tpu.memory_space<vmem>> -> memref<64x128xf32, #tpu.memory_space<vmem>>
      %dma_wait3A_147 = arith.constant 0 : i32
      %dma_wait3A_148 = tpu.memref_slice %arg4[%dma_wait3A_147, %multiple_of3A_52] : memref<64x100000xf32, #tpu.memory_space<hbm>> -> memref<64x128xf32, #tpu.memory_space<hbm>>
      %dma_wait3A_149 = arith.constant 192 : i32
      %dma_wait3A_150 = arith.constant 0 : i32
      %dma_wait3A_151 = tpu.memref_slice %arg8[%dma_wait3A_149, %dma_wait3A_150] : memref<512x128xf32, #tpu.memory_space<vmem>> -> memref<64x128xf32, #tpu.memory_space<vmem>>
      %dma_wait3A_152 = arith.constant 0 : i32
      %dma_wait3A_153 = tpu.memref_slice %arg4[%dma_wait3A_152, %multiple_of3A_52] : memref<64x100000xf32, #tpu.memory_space<hbm>> -> memref<64x128xf32, #tpu.memory_space<hbm>>
      tpu.wait_dma2 semaphore(%arg10 : memref<!tpu.dma_semaphore, #tpu.memory_space<semaphore_mem>>) src(%dma_wait3A_153 : memref<64x128xf32, #tpu.memory_space<hbm>>) dst(%dma_wait3A_151 : memref<64x128xf32, #tpu.memory_space<vmem>>)
      %dma_wait3A_154 = arith.constant 256 : i32
      %dma_wait3A_155 = arith.constant 0 : i32
      %dma_wait3A_156 = tpu.memref_slice %arg8[%dma_wait3A_154, %dma_wait3A_155] : memref<512x128xf32, #tpu.memory_space<vmem>> -> memref<64x128xf32, #tpu.memory_space<vmem>>
      %dma_wait3A_157 = arith.constant 0 : i32
      %dma_wait3A_158 = tpu.memref_slice %arg4[%dma_wait3A_157, %multiple_of3A_65] : memref<64x100000xf32, #tpu.memory_space<hbm>> -> memref<64x128xf32, #tpu.memory_space<hbm>>
      %dma_wait3A_159 = arith.constant 256 : i32
      %dma_wait3A_160 = arith.constant 0 : i32
      %dma_wait3A_161 = tpu.memref_slice %arg8[%dma_wait3A_159, %dma_wait3A_160] : memref<512x128xf32, #tpu.memory_space<vmem>> -> memref<64x128xf32, #tpu.memory_space<vmem>>
      %dma_wait3A_162 = arith.constant 0 : i32
      %dma_wait3A_163 = tpu.memref_slice %arg4[%dma_wait3A_162, %multiple_of3A_65] : memref<64x100000xf32, #tpu.memory_space<hbm>> -> memref<64x128xf32, #tpu.memory_space<hbm>>
      tpu.wait_dma2 semaphore(%arg10 : memref<!tpu.dma_semaphore, #tpu.memory_space<semaphore_mem>>) src(%dma_wait3A_163 : memref<64x128xf32, #tpu.memory_space<hbm>>) dst(%dma_wait3A_161 : memref<64x128xf32, #tpu.memory_space<vmem>>)
      %dma_wait3A_164 = arith.constant 320 : i32
      %dma_wait3A_165 = arith.constant 0 : i32
      %dma_wait3A_166 = tpu.memref_slice %arg8[%dma_wait3A_164, %dma_wait3A_165] : memref<512x128xf32, #tpu.memory_space<vmem>> -> memref<64x128xf32, #tpu.memory_space<vmem>>
      %dma_wait3A_167 = arith.constant 0 : i32
      %dma_wait3A_168 = tpu.memref_slice %arg4[%dma_wait3A_167, %multiple_of3A_78] : memref<64x100000xf32, #tpu.memory_space<hbm>> -> memref<64x128xf32, #tpu.memory_space<hbm>>
      %dma_wait3A_169 = arith.constant 320 : i32
      %dma_wait3A_170 = arith.constant 0 : i32
      %dma_wait3A_171 = tpu.memref_slice %arg8[%dma_wait3A_169, %dma_wait3A_170] : memref<512x128xf32, #tpu.memory_space<vmem>> -> memref<64x128xf32, #tpu.memory_space<vmem>>
      %dma_wait3A_172 = arith.constant 0 : i32
      %dma_wait3A_173 = tpu.memref_slice %arg4[%dma_wait3A_172, %multiple_of3A_78] : memref<64x100000xf32, #tpu.memory_space<hbm>> -> memref<64x128xf32, #tpu.memory_space<hbm>>
      tpu.wait_dma2 semaphore(%arg10 : memref<!tpu.dma_semaphore, #tpu.memory_space<semaphore_mem>>) src(%dma_wait3A_173 : memref<64x128xf32, #tpu.memory_space<hbm>>) dst(%dma_wait3A_171 : memref<64x128xf32, #tpu.memory_space<vmem>>)
      %dma_wait3A_174 = arith.constant 384 : i32
      %dma_wait3A_175 = arith.constant 0 : i32
      %dma_wait3A_176 = tpu.memref_slice %arg8[%dma_wait3A_174, %dma_wait3A_175] : memref<512x128xf32, #tpu.memory_space<vmem>> -> memref<64x128xf32, #tpu.memory_space<vmem>>
      %dma_wait3A_177 = arith.constant 0 : i32
      %dma_wait3A_178 = tpu.memref_slice %arg4[%dma_wait3A_177, %multiple_of3A_91] : memref<64x100000xf32, #tpu.memory_space<hbm>> -> memref<64x128xf32, #tpu.memory_space<hbm>>
      %dma_wait3A_179 = arith.constant 384 : i32
      %dma_wait3A_180 = arith.constant 0 : i32
      %dma_wait3A_181 = tpu.memref_slice %arg8[%dma_wait3A_179, %dma_wait3A_180] : memref<512x128xf32, #tpu.memory_space<vmem>> -> memref<64x128xf32, #tpu.memory_space<vmem>>
      %dma_wait3A_182 = arith.constant 0 : i32
      %dma_wait3A_183 = tpu.memref_slice %arg4[%dma_wait3A_182, %multiple_of3A_91] : memref<64x100000xf32, #tpu.memory_space<hbm>> -> memref<64x128xf32, #tpu.memory_space<hbm>>
      tpu.wait_dma2 semaphore(%arg10 : memref<!tpu.dma_semaphore, #tpu.memory_space<semaphore_mem>>) src(%dma_wait3A_183 : memref<64x128xf32, #tpu.memory_space<hbm>>) dst(%dma_wait3A_181 : memref<64x128xf32, #tpu.memory_space<vmem>>)
      %dma_wait3A_184 = arith.constant 448 : i32
      %dma_wait3A_185 = arith.constant 0 : i32
      %dma_wait3A_186 = tpu.memref_slice %arg8[%dma_wait3A_184, %dma_wait3A_185] : memref<512x128xf32, #tpu.memory_space<vmem>> -> memref<64x128xf32, #tpu.memory_space<vmem>>
      %dma_wait3A_187 = arith.constant 0 : i32
      %dma_wait3A_188 = tpu.memref_slice %arg4[%dma_wait3A_187, %multiple_of3A_104] : memref<64x100000xf32, #tpu.memory_space<hbm>> -> memref<64x128xf32, #tpu.memory_space<hbm>>
      %dma_wait3A_189 = arith.constant 448 : i32
      %dma_wait3A_190 = arith.constant 0 : i32
      %dma_wait3A_191 = tpu.memref_slice %arg8[%dma_wait3A_189, %dma_wait3A_190] : memref<512x128xf32, #tpu.memory_space<vmem>> -> memref<64x128xf32, #tpu.memory_space<vmem>>
      %dma_wait3A_192 = arith.constant 0 : i32
      %dma_wait3A_193 = tpu.memref_slice %arg4[%dma_wait3A_192, %multiple_of3A_104] : memref<64x100000xf32, #tpu.memory_space<hbm>> -> memref<64x128xf32, #tpu.memory_space<hbm>>
      tpu.wait_dma2 semaphore(%arg10 : memref<!tpu.dma_semaphore, #tpu.memory_space<semaphore_mem>>) src(%dma_wait3A_193 : memref<64x128xf32, #tpu.memory_space<hbm>>) dst(%dma_wait3A_191 : memref<64x128xf32, #tpu.memory_space<vmem>>)
      %slice3A_194 = vector.extract_strided_slice %and3A_14 {offsets = [0], sizes = [1], strides = [1]} : vector<16xi32> to vector<1xi32>
      %squeeze3A_195 = vector.extract %slice3A_194[0] : i32 from vector<1xi32>
      %multiple_of3A_196 = tpu.assume_multiple %squeeze3A_195, 16 : i32
      %slice3A_197 = vector.extract_strided_slice %and3A_14 {offsets = [1], sizes = [1], strides = [1]} : vector<16xi32> to vector<1xi32>
      %squeeze3A_198 = vector.extract %slice3A_197[0] : i32 from vector<1xi32>
      %multiple_of3A_199 = tpu.assume_multiple %squeeze3A_198, 16 : i32
      %slice3A_200 = vector.extract_strided_slice %and3A_14 {offsets = [2], sizes = [1], strides = [1]} : vector<16xi32> to vector<1xi32>
      %squeeze3A_201 = vector.extract %slice3A_200[0] : i32 from vector<1xi32>
      %multiple_of3A_202 = tpu.assume_multiple %squeeze3A_201, 16 : i32
      %slice3A_203 = vector.extract_strided_slice %and3A_14 {offsets = [3], sizes = [1], strides = [1]} : vector<16xi32> to vector<1xi32>
      %squeeze3A_204 = vector.extract %slice3A_203[0] : i32 from vector<1xi32>
      %multiple_of3A_205 = tpu.assume_multiple %squeeze3A_204, 16 : i32
      %slice3A_206 = vector.extract_strided_slice %and3A_14 {offsets = [4], sizes = [1], strides = [1]} : vector<16xi32> to vector<1xi32>
      %squeeze3A_207 = vector.extract %slice3A_206[0] : i32 from vector<1xi32>
      %multiple_of3A_208 = tpu.assume_multiple %squeeze3A_207, 16 : i32
      %slice3A_209 = vector.extract_strided_slice %and3A_14 {offsets = [5], sizes = [1], strides = [1]} : vector<16xi32> to vector<1xi32>
      %squeeze3A_210 = vector.extract %slice3A_209[0] : i32 from vector<1xi32>
      %multiple_of3A_211 = tpu.assume_multiple %squeeze3A_210, 16 : i32
      %slice3A_212 = vector.extract_strided_slice %and3A_14 {offsets = [6], sizes = [1], strides = [1]} : vector<16xi32> to vector<1xi32>
      %squeeze3A_213 = vector.extract %slice3A_212[0] : i32 from vector<1xi32>
      %multiple_of3A_214 = tpu.assume_multiple %squeeze3A_213, 16 : i32
      %slice3A_215 = vector.extract_strided_slice %and3A_14 {offsets = [7], sizes = [1], strides = [1]} : vector<16xi32> to vector<1xi32>
      %squeeze3A_216 = vector.extract %slice3A_215[0] : i32 from vector<1xi32>
      %multiple_of3A_217 = tpu.assume_multiple %squeeze3A_216, 16 : i32
      %scan3A = arith.constant 0 : i32
      %scan3A_218 = arith.constant 0 : i32
      %scan3A_219 = arith.constant 64 : i32
      %scan3A_220 = arith.addi %scan3A_218, %scan3A_219 : i32
      %scan3A_221 = arith.constant 1 : i32
      scf.for %scan3A_226 = %scan3A_218 to %scan3A_220 step %scan3A_221  : i32 {
        %add3A_227 = arith.constant 0 : i32
        %add3A_228 = arith.addi %add3A_227, %scan3A_226 : i32
        %get3A_229 = arith.index_cast %add3A_228 : i32 to index
        %get3A_230 = arith.index_cast %multiple_of3A_196 : i32 to index
        %get3A_231 = tpu.vector_load %arg8[%get3A_229, %get3A_230] {strides = array<i32>} : memref<512x128xf32, #tpu.memory_space<vmem>>, vector<1x16xf32>,
        %get3A_232 = vector.shape_cast %get3A_231 : vector<1x16xf32> to vector<16xf32>
        %swap3A = arith.index_cast %scan3A_226 : i32 to index
        %swap3A_233 = arith.constant 0 : index
        %swap3A_234 = tpu.vector_load %arg9[%swap3A, %swap3A_233] {strides = array<i32>} : memref<64x128xf32, #tpu.memory_space<vmem>>, vector<1x16xf32>,
        %swap3A_235 = vector.shape_cast %swap3A_234 : vector<1x16xf32> to vector<16xf32>
        %swap3A_236 = vector.shape_cast %get3A_232 : vector<16xf32> to vector<1x16xf32>
        tpu.vector_store %arg9[%swap3A, %swap3A_233], %swap3A_236 {strides = array<i32>} : memref<64x128xf32, #tpu.memory_space<vmem>>, vector<1x16xf32>,
        %add3A_237 = arith.constant 64 : i32
        %add3A_238 = arith.addi %add3A_237, %scan3A_226 : i32
        %get3A_239 = arith.index_cast %add3A_238 : i32 to index
        %get3A_240 = arith.index_cast %multiple_of3A_199 : i32 to index
        %get3A_241 = tpu.vector_load %arg8[%get3A_239, %get3A_240] {strides = array<i32>} : memref<512x128xf32, #tpu.memory_space<vmem>>, vector<1x16xf32>,
        %get3A_242 = vector.shape_cast %get3A_241 : vector<1x16xf32> to vector<16xf32>
        %swap3A_243 = arith.index_cast %scan3A_226 : i32 to index
        %swap3A_244 = arith.constant 16 : index
        %swap3A_245 = tpu.vector_load %arg9[%swap3A_243, %swap3A_244] {strides = array<i32>} : memref<64x128xf32, #tpu.memory_space<vmem>>, vector<1x16xf32>,
        %swap3A_246 = vector.shape_cast %swap3A_245 : vector<1x16xf32> to vector<16xf32>
        %swap3A_247 = vector.shape_cast %get3A_242 : vector<16xf32> to vector<1x16xf32>
        tpu.vector_store %arg9[%swap3A_243, %swap3A_244], %swap3A_247 {strides = array<i32>} : memref<64x128xf32, #tpu.memory_space<vmem>>, vector<1x16xf32>,
        %add3A_248 = arith.constant 128 : i32
        %add3A_249 = arith.addi %add3A_248, %scan3A_226 : i32
        %get3A_250 = arith.index_cast %add3A_249 : i32 to index
        %get3A_251 = arith.index_cast %multiple_of3A_202 : i32 to index
        %get3A_252 = tpu.vector_load %arg8[%get3A_250, %get3A_251] {strides = array<i32>} : memref<512x128xf32, #tpu.memory_space<vmem>>, vector<1x16xf32>,
        %get3A_253 = vector.shape_cast %get3A_252 : vector<1x16xf32> to vector<16xf32>
        %swap3A_254 = arith.index_cast %scan3A_226 : i32 to index
        %swap3A_255 = arith.constant 32 : index
        %swap3A_256 = tpu.vector_load %arg9[%swap3A_254, %swap3A_255] {strides = array<i32>} : memref<64x128xf32, #tpu.memory_space<vmem>>, vector<1x16xf32>,
        %swap3A_257 = vector.shape_cast %swap3A_256 : vector<1x16xf32> to vector<16xf32>
        %swap3A_258 = vector.shape_cast %get3A_253 : vector<16xf32> to vector<1x16xf32>
        tpu.vector_store %arg9[%swap3A_254, %swap3A_255], %swap3A_258 {strides = array<i32>} : memref<64x128xf32, #tpu.memory_space<vmem>>, vector<1x16xf32>,
        %add3A_259 = arith.constant 192 : i32
        %add3A_260 = arith.addi %add3A_259, %scan3A_226 : i32
        %get3A_261 = arith.index_cast %add3A_260 : i32 to index
        %get3A_262 = arith.index_cast %multiple_of3A_205 : i32 to index
        %get3A_263 = tpu.vector_load %arg8[%get3A_261, %get3A_262] {strides = array<i32>} : memref<512x128xf32, #tpu.memory_space<vmem>>, vector<1x16xf32>,
        %get3A_264 = vector.shape_cast %get3A_263 : vector<1x16xf32> to vector<16xf32>
        %swap3A_265 = arith.index_cast %scan3A_226 : i32 to index
        %swap3A_266 = arith.constant 48 : index
        %swap3A_267 = tpu.vector_load %arg9[%swap3A_265, %swap3A_266] {strides = array<i32>} : memref<64x128xf32, #tpu.memory_space<vmem>>, vector<1x16xf32>,
        %swap3A_268 = vector.shape_cast %swap3A_267 : vector<1x16xf32> to vector<16xf32>
        %swap3A_269 = vector.shape_cast %get3A_264 : vector<16xf32> to vector<1x16xf32>
        tpu.vector_store %arg9[%swap3A_265, %swap3A_266], %swap3A_269 {strides = array<i32>} : memref<64x128xf32, #tpu.memory_space<vmem>>, vector<1x16xf32>,
        %add3A_270 = arith.constant 256 : i32
        %add3A_271 = arith.addi %add3A_270, %scan3A_226 : i32
        %get3A_272 = arith.index_cast %add3A_271 : i32 to index
        %get3A_273 = arith.index_cast %multiple_of3A_208 : i32 to index
        %get3A_274 = tpu.vector_load %arg8[%get3A_272, %get3A_273] {strides = array<i32>} : memref<512x128xf32, #tpu.memory_space<vmem>>, vector<1x16xf32>,
        %get3A_275 = vector.shape_cast %get3A_274 : vector<1x16xf32> to vector<16xf32>
        %swap3A_276 = arith.index_cast %scan3A_226 : i32 to index
        %swap3A_277 = arith.constant 64 : index
        %swap3A_278 = tpu.vector_load %arg9[%swap3A_276, %swap3A_277] {strides = array<i32>} : memref<64x128xf32, #tpu.memory_space<vmem>>, vector<1x16xf32>,
        %swap3A_279 = vector.shape_cast %swap3A_278 : vector<1x16xf32> to vector<16xf32>
        %swap3A_280 = vector.shape_cast %get3A_275 : vector<16xf32> to vector<1x16xf32>
        tpu.vector_store %arg9[%swap3A_276, %swap3A_277], %swap3A_280 {strides = array<i32>} : memref<64x128xf32, #tpu.memory_space<vmem>>, vector<1x16xf32>,
        %add3A_281 = arith.constant 320 : i32
        %add3A_282 = arith.addi %add3A_281, %scan3A_226 : i32
        %get3A_283 = arith.index_cast %add3A_282 : i32 to index
        %get3A_284 = arith.index_cast %multiple_of3A_211 : i32 to index
        %get3A_285 = tpu.vector_load %arg8[%get3A_283, %get3A_284] {strides = array<i32>} : memref<512x128xf32, #tpu.memory_space<vmem>>, vector<1x16xf32>,
        %get3A_286 = vector.shape_cast %get3A_285 : vector<1x16xf32> to vector<16xf32>
        %swap3A_287 = arith.index_cast %scan3A_226 : i32 to index
        %swap3A_288 = arith.constant 80 : index
        %swap3A_289 = tpu.vector_load %arg9[%swap3A_287, %swap3A_288] {strides = array<i32>} : memref<64x128xf32, #tpu.memory_space<vmem>>, vector<1x16xf32>,
        %swap3A_290 = vector.shape_cast %swap3A_289 : vector<1x16xf32> to vector<16xf32>
        %swap3A_291 = vector.shape_cast %get3A_286 : vector<16xf32> to vector<1x16xf32>
        tpu.vector_store %arg9[%swap3A_287, %swap3A_288], %swap3A_291 {strides = array<i32>} : memref<64x128xf32, #tpu.memory_space<vmem>>, vector<1x16xf32>,
        %add3A_292 = arith.constant 384 : i32
        %add3A_293 = arith.addi %add3A_292, %scan3A_226 : i32
        %get3A_294 = arith.index_cast %add3A_293 : i32 to index
        %get3A_295 = arith.index_cast %multiple_of3A_214 : i32 to index
        %get3A_296 = tpu.vector_load %arg8[%get3A_294, %get3A_295] {strides = array<i32>} : memref<512x128xf32, #tpu.memory_space<vmem>>, vector<1x16xf32>,
        %get3A_297 = vector.shape_cast %get3A_296 : vector<1x16xf32> to vector<16xf32>
        %swap3A_298 = arith.index_cast %scan3A_226 : i32 to index
        %swap3A_299 = arith.constant 96 : index
        %swap3A_300 = tpu.vector_load %arg9[%swap3A_298, %swap3A_299] {strides = array<i32>} : memref<64x128xf32, #tpu.memory_space<vmem>>, vector<1x16xf32>,
        %swap3A_301 = vector.shape_cast %swap3A_300 : vector<1x16xf32> to vector<16xf32>
        %swap3A_302 = vector.shape_cast %get3A_297 : vector<16xf32> to vector<1x16xf32>
        tpu.vector_store %arg9[%swap3A_298, %swap3A_299], %swap3A_302 {strides = array<i32>} : memref<64x128xf32, #tpu.memory_space<vmem>>, vector<1x16xf32>,
        %add3A_303 = arith.constant 448 : i32
        %add3A_304 = arith.addi %add3A_303, %scan3A_226 : i32
        %get3A_305 = arith.index_cast %add3A_304 : i32 to index
        %get3A_306 = arith.index_cast %multiple_of3A_217 : i32 to index
        %get3A_307 = tpu.vector_load %arg8[%get3A_305, %get3A_306] {strides = array<i32>} : memref<512x128xf32, #tpu.memory_space<vmem>>, vector<1x16xf32>,
        %get3A_308 = vector.shape_cast %get3A_307 : vector<1x16xf32> to vector<16xf32>
        %swap3A_309 = arith.index_cast %scan3A_226 : i32 to index
        %swap3A_310 = arith.constant 112 : index
        %swap3A_311 = tpu.vector_load %arg9[%swap3A_309, %swap3A_310] {strides = array<i32>} : memref<64x128xf32, #tpu.memory_space<vmem>>, vector<1x16xf32>,
        %swap3A_312 = vector.shape_cast %swap3A_311 : vector<1x16xf32> to vector<16xf32>
        %swap3A_313 = vector.shape_cast %get3A_308 : vector<16xf32> to vector<1x16xf32>
        tpu.vector_store %arg9[%swap3A_309, %swap3A_310], %swap3A_313 {strides = array<i32>} : memref<64x128xf32, #tpu.memory_space<vmem>>, vector<1x16xf32>,
      }
      %scan3A_222 = arith.constant 64 : i32
      %mul3A_223 = arith.constant 128 : i32
      %mul3A_224 = arith.muli %add3A, %mul3A_223 : i32
      %multiple_of3A_225 = tpu.assume_multiple %mul3A_224, 128 : i32
      "tpu.region"() ({
        %run_scoped3A = tpu.sem_alloc : memref<!tpu.dma_semaphore, #tpu.memory_space<semaphore_mem>>
        %dma_start3A_226 = arith.constant 0 : i32
        %dma_start3A_227 = tpu.memref_slice %arg6[%dma_start3A_226, %multiple_of3A_225] : memref<64x3328xf32, #tpu.memory_space<hbm>> -> memref<64x128xf32, #tpu.memory_space<hbm>>
        %dma_start3A_228 = arith.constant 0 : i32
        %dma_start3A_229 = tpu.memref_slice %arg6[%dma_start3A_228, %multiple_of3A_225] : memref<64x3328xf32, #tpu.memory_space<hbm>> -> memref<64x128xf32, #tpu.memory_space<hbm>>
        tpu.enqueue_dma source(%arg9 : memref<64x128xf32, #tpu.memory_space<vmem>>) target(%dma_start3A_229 : memref<64x128xf32, #tpu.memory_space<hbm>>) target_semaphore(%run_scoped3A : memref<!tpu.dma_semaphore, #tpu.memory_space<semaphore_mem>>)
        %dma_wait3A_230 = arith.constant 0 : i32
        %dma_wait3A_231 = tpu.memref_slice %arg6[%dma_wait3A_230, %multiple_of3A_225] : memref<64x3328xf32, #tpu.memory_space<hbm>> -> memref<64x128xf32, #tpu.memory_space<hbm>>
        %dma_wait3A_232 = arith.constant 0 : i32
        %dma_wait3A_233 = tpu.memref_slice %arg6[%dma_wait3A_232, %multiple_of3A_225] : memref<64x3328xf32, #tpu.memory_space<hbm>> -> memref<64x128xf32, #tpu.memory_space<hbm>>
        tpu.wait_dma2 semaphore(%run_scoped3A : memref<!tpu.dma_semaphore, #tpu.memory_space<semaphore_mem>>) src(%arg9 : memref<64x128xf32, #tpu.memory_space<vmem>>) dst(%dma_wait3A_233 : memref<64x128xf32, #tpu.memory_space<hbm>>)
        tpu.yield
      }) : () -> ()
    } else {
    }
    %eq3A = arith.constant 25 : i32
    %eq3A_3 = arith.cmpi eq, %add3A, %eq3A : i32
    %convert_element_type3A_4 = arith.extui %eq3A_3 : i1 to i32
    %cond3A_5 = arith.constant 0 : i32
    %cond3A_6 = arith.cmpi ne, %convert_element_type3A_4, %cond3A_5 : i32
    scf.if %cond3A_6 {
      "tpu.region"() ({
        %run_scoped3A = tpu.sem_alloc : memref<!tpu.dma_semaphore, #tpu.memory_space<semaphore_mem>>
        %dma_start3A_39 = arith.constant 0 : i32
        %dma_start3A_40 = tpu.memref_slice %arg7[%dma_start3A_39] : memref<16xi32, #tpu.memory_space<vmem>> -> memref<1xi32, #tpu.memory_space<vmem>>
        %dma_start3A_41 = arith.constant 0 : i32
        %dma_start3A_42 = tpu.memref_slice %arg7[%dma_start3A_41] : memref<16xi32, #tpu.memory_space<vmem>> -> memref<1xi32, #tpu.memory_space<vmem>>
        tpu.enqueue_dma source(%arg3 : memref<1xi32, #tpu.memory_space<hbm>>) target(%dma_start3A_42 : memref<1xi32, #tpu.memory_space<vmem>>) target_semaphore(%run_scoped3A : memref<!tpu.dma_semaphore, #tpu.memory_space<semaphore_mem>>)
        %dma_wait3A_43 = arith.constant 0 : i32
        %dma_wait3A_44 = tpu.memref_slice %arg7[%dma_wait3A_43] : memref<16xi32, #tpu.memory_space<vmem>> -> memref<1xi32, #tpu.memory_space<vmem>>
        %dma_wait3A_45 = arith.constant 0 : i32
        %dma_wait3A_46 = tpu.memref_slice %arg7[%dma_wait3A_45] : memref<16xi32, #tpu.memory_space<vmem>> -> memref<1xi32, #tpu.memory_space<vmem>>
        tpu.wait_dma2 semaphore(%run_scoped3A : memref<!tpu.dma_semaphore, #tpu.memory_space<semaphore_mem>>) src(%arg3 : memref<1xi32, #tpu.memory_space<hbm>>) dst(%dma_wait3A_46 : memref<1xi32, #tpu.memory_space<vmem>>)
        tpu.yield
      }) : () -> ()
      %get3A = arith.constant 0 : index
      %get3A_7 = tpu.vector_load %arg7[%get3A] {strides = array<i32>} : memref<16xi32, #tpu.memory_space<vmem>>, vector<16xi32>,
      %get3A_8 = vector.shape_cast %get3A_7 : vector<16xi32> to vector<16xi32>
      %broadcast_in_dim3A = arith.constant -128 : i32
      %broadcast_in_dim3A_9 = vector.broadcast %broadcast_in_dim3A : i32 to vector<16xi32>
      %and3A = arith.andi %get3A_8, %broadcast_in_dim3A_9 : vector<16xi32>
      %slice3A = vector.extract_strided_slice %and3A {offsets = [0], sizes = [1], strides = [1]} : vector<16xi32> to vector<1xi32>
      %squeeze3A = vector.extract %slice3A[0] : i32 from vector<1xi32>
      %multiple_of3A = tpu.assume_multiple %squeeze3A, 128 : i32
      %broadcast_in_dim3A_10 = arith.constant 112 : i32
      %broadcast_in_dim3A_11 = vector.broadcast %broadcast_in_dim3A_10 : i32 to vector<16xi32>
      %and3A_12 = arith.andi %get3A_8, %broadcast_in_dim3A_11 : vector<16xi32>
      %slice3A_13 = vector.extract_strided_slice %and3A_12 {offsets = [0], sizes = [1], strides = [1]} : vector<16xi32> to vector<1xi32>
      %squeeze3A_14 = vector.extract %slice3A_13[0] : i32 from vector<1xi32>
      %multiple_of3A_15 = tpu.assume_multiple %squeeze3A_14, 16 : i32
      %dma_start3A = arith.constant 0 : i32
      %dma_start3A_16 = arith.constant 0 : i32
      %dma_start3A_17 = tpu.memref_slice %arg8[%dma_start3A, %dma_start3A_16] : memref<512x128xf32, #tpu.memory_space<vmem>> -> memref<64x128xf32, #tpu.memory_space<vmem>>
      %dma_start3A_18 = arith.constant 0 : i32
      %dma_start3A_19 = tpu.memref_slice %arg5[%dma_start3A_18, %multiple_of3A] : memref<64x1000000xf32, #tpu.memory_space<hbm>> -> memref<64x128xf32, #tpu.memory_space<hbm>>
      %dma_start3A_20 = arith.constant 0 : i32
      %dma_start3A_21 = arith.constant 0 : i32
      %dma_start3A_22 = tpu.memref_slice %arg8[%dma_start3A_20, %dma_start3A_21] : memref<512x128xf32, #tpu.memory_space<vmem>> -> memref<64x128xf32, #tpu.memory_space<vmem>>
      %dma_start3A_23 = arith.constant 0 : i32
      %dma_start3A_24 = tpu.memref_slice %arg5[%dma_start3A_23, %multiple_of3A] : memref<64x1000000xf32, #tpu.memory_space<hbm>> -> memref<64x128xf32, #tpu.memory_space<hbm>>
      tpu.enqueue_dma source(%dma_start3A_24 : memref<64x128xf32, #tpu.memory_space<hbm>>) target(%dma_start3A_22 : memref<64x128xf32, #tpu.memory_space<vmem>>) target_semaphore(%arg10 : memref<!tpu.dma_semaphore, #tpu.memory_space<semaphore_mem>>)
      %dma_wait3A = arith.constant 0 : i32
      %dma_wait3A_25 = arith.constant 0 : i32
      %dma_wait3A_26 = tpu.memref_slice %arg8[%dma_wait3A, %dma_wait3A_25] : memref<512x128xf32, #tpu.memory_space<vmem>> -> memref<64x128xf32, #tpu.memory_space<vmem>>
      %dma_wait3A_27 = arith.constant 0 : i32
      %dma_wait3A_28 = tpu.memref_slice %arg5[%dma_wait3A_27, %multiple_of3A] : memref<64x1000000xf32, #tpu.memory_space<hbm>> -> memref<64x128xf32, #tpu.memory_space<hbm>>
      %dma_wait3A_29 = arith.constant 0 : i32
      %dma_wait3A_30 = arith.constant 0 : i32
      %dma_wait3A_31 = tpu.memref_slice %arg8[%dma_wait3A_29, %dma_wait3A_30] : memref<512x128xf32, #tpu.memory_space<vmem>> -> memref<64x128xf32, #tpu.memory_space<vmem>>
      %dma_wait3A_32 = arith.constant 0 : i32
      %dma_wait3A_33 = tpu.memref_slice %arg5[%dma_wait3A_32, %multiple_of3A] : memref<64x1000000xf32, #tpu.memory_space<hbm>> -> memref<64x128xf32, #tpu.memory_space<hbm>>
      tpu.wait_dma2 semaphore(%arg10 : memref<!tpu.dma_semaphore, #tpu.memory_space<semaphore_mem>>) src(%dma_wait3A_33 : memref<64x128xf32, #tpu.memory_space<hbm>>) dst(%dma_wait3A_31 : memref<64x128xf32, #tpu.memory_space<vmem>>)
      %scan3A = arith.constant 0 : i32
      %scan3A_34 = arith.constant 0 : i32
      %scan3A_35 = arith.constant 64 : i32
      %scan3A_36 = arith.addi %scan3A_34, %scan3A_35 : i32
      %scan3A_37 = arith.constant 1 : i32
      scf.for %scan3A_39 = %scan3A_34 to %scan3A_36 step %scan3A_37  : i32 {
        %get3A_40 = arith.index_cast %scan3A_39 : i32 to index
        %get3A_41 = arith.index_cast %multiple_of3A_15 : i32 to index
        %get3A_42 = tpu.vector_load %arg8[%get3A_40, %get3A_41] {strides = array<i32>} : memref<512x128xf32, #tpu.memory_space<vmem>>, vector<1x16xf32>,
        %get3A_43 = vector.shape_cast %get3A_42 : vector<1x16xf32> to vector<16xf32>
        %swap3A = arith.index_cast %scan3A_39 : i32 to index
        %swap3A_44 = arith.constant 0 : index
        %swap3A_45 = tpu.vector_load %arg9[%swap3A, %swap3A_44] {strides = array<i32>} : memref<64x128xf32, #tpu.memory_space<vmem>>, vector<1x16xf32>,
        %swap3A_46 = vector.shape_cast %swap3A_45 : vector<1x16xf32> to vector<16xf32>
        %swap3A_47 = vector.shape_cast %get3A_43 : vector<16xf32> to vector<1x16xf32>
        tpu.vector_store %arg9[%swap3A, %swap3A_44], %swap3A_47 {strides = array<i32>} : memref<64x128xf32, #tpu.memory_space<vmem>>, vector<1x16xf32>,
        %broadcast_in_dim3A_48 = arith.constant 0.000000e+00 : f32
        %broadcast_in_dim3A_49 = vector.broadcast %broadcast_in_dim3A_48 : f32 to vector<16xf32>
        %swap3A_50 = arith.index_cast %scan3A_39 : i32 to index
        %swap3A_51 = arith.constant 16 : index
        %swap3A_52 = tpu.vector_load %arg9[%swap3A_50, %swap3A_51] {strides = array<i32>} : memref<64x128xf32, #tpu.memory_space<vmem>>, vector<1x16xf32>,
        %swap3A_53 = vector.shape_cast %swap3A_52 : vector<1x16xf32> to vector<16xf32>
        %swap3A_54 = vector.shape_cast %broadcast_in_dim3A_49 : vector<16xf32> to vector<1x16xf32>
        tpu.vector_store %arg9[%swap3A_50, %swap3A_51], %swap3A_54 {strides = array<i32>} : memref<64x128xf32, #tpu.memory_space<vmem>>, vector<1x16xf32>,
        %broadcast_in_dim3A_55 = arith.constant 0.000000e+00 : f32
        %broadcast_in_dim3A_56 = vector.broadcast %broadcast_in_dim3A_55 : f32 to vector<16xf32>
        %swap3A_57 = arith.index_cast %scan3A_39 : i32 to index
        %swap3A_58 = arith.constant 32 : index
        %swap3A_59 = tpu.vector_load %arg9[%swap3A_57, %swap3A_58] {strides = array<i32>} : memref<64x128xf32, #tpu.memory_space<vmem>>, vector<1x16xf32>,
        %swap3A_60 = vector.shape_cast %swap3A_59 : vector<1x16xf32> to vector<16xf32>
        %swap3A_61 = vector.shape_cast %broadcast_in_dim3A_56 : vector<16xf32> to vector<1x16xf32>
        tpu.vector_store %arg9[%swap3A_57, %swap3A_58], %swap3A_61 {strides = array<i32>} : memref<64x128xf32, #tpu.memory_space<vmem>>, vector<1x16xf32>,
        %broadcast_in_dim3A_62 = arith.constant 0.000000e+00 : f32
        %broadcast_in_dim3A_63 = vector.broadcast %broadcast_in_dim3A_62 : f32 to vector<16xf32>
        %swap3A_64 = arith.index_cast %scan3A_39 : i32 to index
        %swap3A_65 = arith.constant 48 : index
        %swap3A_66 = tpu.vector_load %arg9[%swap3A_64, %swap3A_65] {strides = array<i32>} : memref<64x128xf32, #tpu.memory_space<vmem>>, vector<1x16xf32>,
        %swap3A_67 = vector.shape_cast %swap3A_66 : vector<1x16xf32> to vector<16xf32>
        %swap3A_68 = vector.shape_cast %broadcast_in_dim3A_63 : vector<16xf32> to vector<1x16xf32>
        tpu.vector_store %arg9[%swap3A_64, %swap3A_65], %swap3A_68 {strides = array<i32>} : memref<64x128xf32, #tpu.memory_space<vmem>>, vector<1x16xf32>,
        %broadcast_in_dim3A_69 = arith.constant 0.000000e+00 : f32
        %broadcast_in_dim3A_70 = vector.broadcast %broadcast_in_dim3A_69 : f32 to vector<16xf32>
        %swap3A_71 = arith.index_cast %scan3A_39 : i32 to index
        %swap3A_72 = arith.constant 64 : index
        %swap3A_73 = tpu.vector_load %arg9[%swap3A_71, %swap3A_72] {strides = array<i32>} : memref<64x128xf32, #tpu.memory_space<vmem>>, vector<1x16xf32>,
        %swap3A_74 = vector.shape_cast %swap3A_73 : vector<1x16xf32> to vector<16xf32>
        %swap3A_75 = vector.shape_cast %broadcast_in_dim3A_70 : vector<16xf32> to vector<1x16xf32>
        tpu.vector_store %arg9[%swap3A_71, %swap3A_72], %swap3A_75 {strides = array<i32>} : memref<64x128xf32, #tpu.memory_space<vmem>>, vector<1x16xf32>,
        %broadcast_in_dim3A_76 = arith.constant 0.000000e+00 : f32
        %broadcast_in_dim3A_77 = vector.broadcast %broadcast_in_dim3A_76 : f32 to vector<16xf32>
        %swap3A_78 = arith.index_cast %scan3A_39 : i32 to index
        %swap3A_79 = arith.constant 80 : index
        %swap3A_80 = tpu.vector_load %arg9[%swap3A_78, %swap3A_79] {strides = array<i32>} : memref<64x128xf32, #tpu.memory_space<vmem>>, vector<1x16xf32>,
        %swap3A_81 = vector.shape_cast %swap3A_80 : vector<1x16xf32> to vector<16xf32>
        %swap3A_82 = vector.shape_cast %broadcast_in_dim3A_77 : vector<16xf32> to vector<1x16xf32>
        tpu.vector_store %arg9[%swap3A_78, %swap3A_79], %swap3A_82 {strides = array<i32>} : memref<64x128xf32, #tpu.memory_space<vmem>>, vector<1x16xf32>,
        %broadcast_in_dim3A_83 = arith.constant 0.000000e+00 : f32
        %broadcast_in_dim3A_84 = vector.broadcast %broadcast_in_dim3A_83 : f32 to vector<16xf32>
        %swap3A_85 = arith.index_cast %scan3A_39 : i32 to index
        %swap3A_86 = arith.constant 96 : index
        %swap3A_87 = tpu.vector_load %arg9[%swap3A_85, %swap3A_86] {strides = array<i32>} : memref<64x128xf32, #tpu.memory_space<vmem>>, vector<1x16xf32>,
        %swap3A_88 = vector.shape_cast %swap3A_87 : vector<1x16xf32> to vector<16xf32>
        %swap3A_89 = vector.shape_cast %broadcast_in_dim3A_84 : vector<16xf32> to vector<1x16xf32>
        tpu.vector_store %arg9[%swap3A_85, %swap3A_86], %swap3A_89 {strides = array<i32>} : memref<64x128xf32, #tpu.memory_space<vmem>>, vector<1x16xf32>,
        %broadcast_in_dim3A_90 = arith.constant 0.000000e+00 : f32
        %broadcast_in_dim3A_91 = vector.broadcast %broadcast_in_dim3A_90 : f32 to vector<16xf32>
        %swap3A_92 = arith.index_cast %scan3A_39 : i32 to index
        %swap3A_93 = arith.constant 112 : index
        %swap3A_94 = tpu.vector_load %arg9[%swap3A_92, %swap3A_93] {strides = array<i32>} : memref<64x128xf32, #tpu.memory_space<vmem>>, vector<1x16xf32>,
        %swap3A_95 = vector.shape_cast %swap3A_94 : vector<1x16xf32> to vector<16xf32>
        %swap3A_96 = vector.shape_cast %broadcast_in_dim3A_91 : vector<16xf32> to vector<1x16xf32>
        tpu.vector_store %arg9[%swap3A_92, %swap3A_93], %swap3A_96 {strides = array<i32>} : memref<64x128xf32, #tpu.memory_space<vmem>>, vector<1x16xf32>,
      }
      %scan3A_38 = arith.constant 64 : i32
      "tpu.region"() ({
        %run_scoped3A = tpu.sem_alloc : memref<!tpu.dma_semaphore, #tpu.memory_space<semaphore_mem>>
        %dma_start3A_39 = arith.constant 0 : i32
        %dma_start3A_40 = arith.constant 3200 : i32
        %dma_start3A_41 = tpu.memref_slice %arg6[%dma_start3A_39, %dma_start3A_40] : memref<64x3328xf32, #tpu.memory_space<hbm>> -> memref<64x128xf32, #tpu.memory_space<hbm>>
        %dma_start3A_42 = arith.constant 0 : i32
        %dma_start3A_43 = arith.constant 3200 : i32
        %dma_start3A_44 = tpu.memref_slice %arg6[%dma_start3A_42, %dma_start3A_43] : memref<64x3328xf32, #tpu.memory_space<hbm>> -> memref<64x128xf32, #tpu.memory_space<hbm>>
        tpu.enqueue_dma source(%arg9 : memref<64x128xf32, #tpu.memory_space<vmem>>) target(%dma_start3A_44 : memref<64x128xf32, #tpu.memory_space<hbm>>) target_semaphore(%run_scoped3A : memref<!tpu.dma_semaphore, #tpu.memory_space<semaphore_mem>>)
        %dma_wait3A_45 = arith.constant 0 : i32
        %dma_wait3A_46 = arith.constant 3200 : i32
        %dma_wait3A_47 = tpu.memref_slice %arg6[%dma_wait3A_45, %dma_wait3A_46] : memref<64x3328xf32, #tpu.memory_space<hbm>> -> memref<64x128xf32, #tpu.memory_space<hbm>>
        %dma_wait3A_48 = arith.constant 0 : i32
        %dma_wait3A_49 = arith.constant 3200 : i32
        %dma_wait3A_50 = tpu.memref_slice %arg6[%dma_wait3A_48, %dma_wait3A_49] : memref<64x3328xf32, #tpu.memory_space<hbm>> -> memref<64x128xf32, #tpu.memory_space<hbm>>
        tpu.wait_dma2 semaphore(%run_scoped3A : memref<!tpu.dma_semaphore, #tpu.memory_space<semaphore_mem>>) src(%arg9 : memref<64x128xf32, #tpu.memory_space<vmem>>) dst(%dma_wait3A_50 : memref<64x128xf32, #tpu.memory_space<hbm>>)
        tpu.yield
      }) : () -> ()
    } else {
    }
    return
  }
}

module attributes {stable_mosaic.version = 14 : i64} {
  func.func @_tc_body(%arg0: memref<64x3328xf32, #tpu.memory_space<vmem>>, %arg1: memref<5x64xf32, #tpu.memory_space<vmem>>, %arg2: memref<1x1xi32, #tpu.memory_space<vmem>>, %arg3: memref<1x1xi32, #tpu.memory_space<vmem>>, %arg4: memref<1x3200xf32, #tpu.memory_space<vmem>>, %arg5: memref<192x1024xf32, #tpu.memory_space<vmem>>, %arg6: memref<1x1024xf32, #tpu.memory_space<vmem>>, %arg7: memref<1x192xf32, #tpu.memory_space<vmem>>, %arg8: memref<1x1024xf32, #tpu.memory_space<vmem>>) attributes {dimension_semantics = [], scalar_prefetch = 0 : i64, scratch_operands = 0 : i64, tpu.core_type = #tpu.core_type<tc>} {
    %iota3A = tpu.iota {dimensions = array<i32: 1>} : vector<1x5xi32>
    %get3A = arith.constant 0 : index
    %get3A_0 = arith.constant 0 : index
    %get3A_1 = vector.load %arg2[%get3A, %get3A_0] : memref<1x1xi32, #tpu.memory_space<vmem>>, vector<1x1xi32>
    %eq3A = vector.broadcast %get3A_1 : vector<1x1xi32> to vector<1x5xi32>
    %eq3A_2 = arith.cmpi eq, %iota3A, %eq3A : vector<1x5xi32>
    %convert_element_type3A = arith.extui %eq3A_2 : vector<1x5xi1> to vector<1x5xi32>
    %convert_element_type3A_3 = arith.sitofp %convert_element_type3A : vector<1x5xi32> to vector<1x5xf32>
    %get3A_4 = arith.constant 0 : index
    %get3A_5 = arith.constant 0 : index
    %get3A_6 = vector.load %arg1[%get3A_4, %get3A_5] : memref<5x64xf32, #tpu.memory_space<vmem>>, vector<5x64xf32>
    %dot_general3A = arith.constant dense<0.000000e+00> : vector<1x64xf32>
    %dot_general3A_7 = tpu.matmul %convert_element_type3A_3, %get3A_6, %dot_general3A {dimension_numbers = #tpu.dot_dimension_numbers<[1], [0], [0], [1], [0, 0, 1, 1], [], []>, precision = #tpu.contract_precision<fp32>, transpose_lhs_hint = false} : vector<1x5xf32>, vector<5x64xf32>, vector<1x64xf32> -> vector<1x64xf32>
    %iota3A_8 = tpu.iota {dimensions = array<i32: 1>} : vector<1x16xi32>
    %get3A_9 = arith.constant 0 : index
    %get3A_10 = arith.constant 0 : index
    %get3A_11 = vector.load %arg3[%get3A_9, %get3A_10] : memref<1x1xi32, #tpu.memory_space<vmem>>, vector<1x1xi32>
    %jit3A = arith.constant 16 : i32
    %eq3A_12 = arith.constant 0 : i32
    %eq3A_13 = arith.cmpi eq, %jit3A, %eq3A_12 : i32
    %jit3A_14 = arith.constant 1 : i32
    %select_n3A = arith.select %eq3A_13, %jit3A_14, %jit3A : i32
    %rem3A = vector.broadcast %select_n3A : i32 to vector<1x1xi32>
    %rem3A_15 = arith.remsi %get3A_11, %rem3A : vector<1x1xi32>
    %ne3A = arith.constant 0 : i32
    %ne3A_16 = vector.broadcast %ne3A : i32 to vector<1x1xi32>
    %ne3A_17 = arith.cmpi ne, %rem3A_15, %ne3A_16 : vector<1x1xi32>
    %lt3A = arith.constant 0 : i32
    %lt3A_18 = vector.broadcast %lt3A : i32 to vector<1x1xi32>
    %lt3A_19 = arith.cmpi slt, %rem3A_15, %lt3A_18 : vector<1x1xi32>
    %lt3A_20 = arith.constant 0 : i32
    %lt3A_21 = arith.cmpi slt, %select_n3A, %lt3A_20 : i32
    %ne3A_22 = vector.broadcast %lt3A_21 : i1 to vector<1x1xi1>
    %ne3A_23 = vector.broadcast %ne3A_22 : vector<1x1xi1> to vector<1x1xi1>
    %ne3A_24 = arith.xori %lt3A_19, %ne3A_23 : vector<1x1xi1>
    %and3A = arith.andi %ne3A_24, %ne3A_17 : vector<1x1xi1>
    %add3A = vector.broadcast %select_n3A : i32 to vector<1x1xi32>
    %add3A_25 = arith.addi %rem3A_15, %add3A : vector<1x1xi32>
    %select_n3A_26 = arith.select %and3A, %add3A_25, %rem3A_15 : vector<1x1xi1>, vector<1x1xi32>
    %eq3A_27 = vector.broadcast %select_n3A_26 : vector<1x1xi32> to vector<1x16xi32>
    %eq3A_28 = arith.cmpi eq, %iota3A_8, %eq3A_27 : vector<1x16xi32>
    %convert_element_type3A_29 = arith.extui %eq3A_28 : vector<1x16xi1> to vector<1x16xi32>
    %convert_element_type3A_30 = arith.sitofp %convert_element_type3A_29 : vector<1x16xi32> to vector<1x16xf32>
    %get3A_31 = arith.constant 0 : index
    %get3A_32 = arith.constant 3200 : index
    %get3A_33 = vector.load %arg0[%get3A_31, %get3A_32] : memref<64x3328xf32, #tpu.memory_space<vmem>>, vector<64x16xf32>
    %dot_general3A_34 = arith.constant dense<0.000000e+00> : vector<1x64xf32>
    %dot_general3A_35 = tpu.matmul %convert_element_type3A_30, %get3A_33, %dot_general3A_34 {dimension_numbers = #tpu.dot_dimension_numbers<[1], [1], [0], [0], [0, 0, 1, 0], [], []>, precision = #tpu.contract_precision<fp32>, transpose_lhs_hint = false} : vector<1x16xf32>, vector<64x16xf32>, vector<1x64xf32> -> vector<1x64xf32>
    %get3A_36 = arith.constant 0 : index
    %get3A_37 = arith.constant 0 : index
    %get3A_38 = vector.load %arg4[%get3A_36, %get3A_37] : memref<1x3200xf32, #tpu.memory_space<vmem>>, vector<1x3200xf32>
    %get3A_39 = arith.constant 0 : index
    %get3A_40 = arith.constant 0 : index
    %get3A_41 = vector.load %arg0[%get3A_39, %get3A_40] : memref<64x3328xf32, #tpu.memory_space<vmem>>, vector<64x3200xf32>
    %dot_general3A_42 = arith.constant dense<0.000000e+00> : vector<1x64xf32>
    %dot_general3A_43 = tpu.matmul %get3A_38, %get3A_41, %dot_general3A_42 {dimension_numbers = #tpu.dot_dimension_numbers<[1], [1], [0], [0], [0, 0, 1, 0], [], []>, precision = #tpu.contract_precision<fp32>, transpose_lhs_hint = false} : vector<1x3200xf32>, vector<64x3200xf32>, vector<1x64xf32> -> vector<1x64xf32>
    %concatenate3A = tpu.concatenate %dot_general3A_7, %dot_general3A_35, %dot_general3A_43 in 1 : vector<1x64xf32>, vector<1x64xf32>, vector<1x64xf32> -> vector<1x192xf32>
    %swap3A = arith.constant 0 : index
    %swap3A_44 = arith.constant 0 : index
    %swap3A_45 = vector.load %arg7[%swap3A, %swap3A_44] : memref<1x192xf32, #tpu.memory_space<vmem>>, vector<1x192xf32>
    tpu.vector_store %arg7[%swap3A, %swap3A_44], %concatenate3A {strides = array<i32>} : memref<1x192xf32, #tpu.memory_space<vmem>>, vector<1x192xf32>,
    %get3A_46 = arith.constant 0 : index
    %get3A_47 = arith.constant 0 : index
    %get3A_48 = vector.load %arg5[%get3A_46, %get3A_47] : memref<192x1024xf32, #tpu.memory_space<vmem>>, vector<192x1024xf32>
    %dot_general3A_49 = arith.constant dense<0.000000e+00> : vector<1x1024xf32>
    %dot_general3A_50 = tpu.matmul %concatenate3A, %get3A_48, %dot_general3A_49 {dimension_numbers = #tpu.dot_dimension_numbers<[1], [0], [0], [1], [0, 0, 1, 1], [], []>, precision = #tpu.contract_precision<fp32>, transpose_lhs_hint = false} : vector<1x192xf32>, vector<192x1024xf32>, vector<1x1024xf32> -> vector<1x1024xf32>
    %get3A_51 = arith.constant 0 : index
    %get3A_52 = arith.constant 0 : index
    %get3A_53 = vector.load %arg6[%get3A_51, %get3A_52] : memref<1x1024xf32, #tpu.memory_space<vmem>>, vector<1x1024xf32>
    %add3A_54 = arith.addf %dot_general3A_50, %get3A_53 : vector<1x1024xf32>
    %tanh3A = math.tanh %add3A_54 : vector<1x1024xf32>
    %swap3A_55 = arith.constant 0 : index
    %swap3A_56 = arith.constant 0 : index
    %swap3A_57 = vector.load %arg8[%swap3A_55, %swap3A_56] : memref<1x1024xf32, #tpu.memory_space<vmem>>, vector<1x1024xf32>
    tpu.vector_store %arg8[%swap3A_55, %swap3A_56], %tanh3A {strides = array<i32>} : memref<1x1024xf32, #tpu.memory_space<vmem>>, vector<1x1024xf32>,
    return
  }
}

</mosaic_0001>

<sc_bundles>
// kernel: kernel.4.cloned.1.call-start
scs
__scs_entry_jumppad:
0x0: {  	(pc) =	sbr.rel $0x88, $3  }
0x1: {  	(tag) =	ssettag $0x0;
	lr =	simm.s32 $0x1  }
0x2: {  	[smem:$0x3F99] =	sst lr;
	_ =	strace $0xD0000000  }
0x3: {  	_ = 	snop  }
0x4: {  	_ = 	snop  }
0x5: {  	_ = 	snop  }
0x6: {  	_ = 	snop  }
0x7: {  	_ = 	snop  }
__scs_overlays_trampoline_lowered:
0x8: {  	[smem:$0x3FA8] =	sst s0  }
0x9: {  	[smem:$0x3FA9] =	sst s1  }
0xa: {  	[smem:$0x3FAA] =	sst s2  }
0xb: {  	[smem:$0x3FAB] =	sst s3  }
0xc: {  	[smem:$0x3FAC] =	sst s4  }
0xd: {  	[smem:$0x3FAD] =	sst s5  }
0xe: {  	[smem:$0x3FAE] =	sst s6  }
0xf: {  	[smem:$0x3FAF] =	sst s7  }
0x10: {  	[smem:$0x3FB0] =	sst s8  }
0x11: {  	[smem:$0x3FB1] =	sst s9;
	s0 =	simm.s32 @!p0 $0x0  }
0x12: {  	s1 =	sld [smem:$0x3F97];
	s0 =	simm.s32 @p0 $0x1  }
0x13: {  	[smem:$0x3FB2] =	sst s0;
	s0 =	simm.s32 @!p1 $0x0  }
0x14: {  	s2 =	sld [smem:$0x3F96];
	s0 =	simm.s32 @p1 $0x1  }
0x15: {  	[smem:$0x3FB3] =	sst s0;
	s0 =	simm.s32 @!p2 $0x0  }
0x16: {  	s3 =	sld [smem:$0x3FDB];
	s0 =	simm.s32 @p2 $0x1  }
0x17: {  	s4 =	simm.s32 $0x1BF5;
	[smem:$0x3FB5] =	sst s0  }
0x18: {  	s0 =	sld [smem:$0x3F98];
	_ =	swait.ge [sflag:s4], $0x0  }
0x19: {  	s7 =	sld [smem:$0x3F99]  }
0x1a: {  	s8 =	sadd.s32 $0xFFFFE003, lr  }
0x1b: {  	s9 =	sadd.s32 $0xFFFFFEF7, lr;
	s5 =	simm.s32 $0xFFFFFFFF;
	p2 =	slt.u32 s8, $0xFFFFF086  }
0x1c: {  	p1 =	slt.u32 s9, $0xF7A;
	s5 =	simm.s32 @!p2 $0x0  }
0x1d: {  	s5 =	simm.s32 @p1 $0x1;
	p0 =	seq.s32 s7, s2  }
0x1e: {  	s7 =	smul.u32 @!p0 $0xF7A, s2;
	p2 =	seq.s32 @!p0 s5, $0x0  }
0x1f: {  	s9 =	smul.u32 $0xF7A, s1;
	s8 =	simm.s32 @!p0 $0x1BF5;
	p2 =	por !p2, p0  }
0x20: {  	[sflag:s8] =	ssyncset.s32 @!p0 $0xFFFFF086;
	s6 =	sadd.s32 @!p0 s3, s7;
	s7 =	simm.s32 @!p0 $0x108  }
0x21: {  	s3 =	sadd.s32 s3, s9;
	s6 =	sadd.s32 @!p0 $0x88, s6;
	s7 =	simm.s32 @p2 $0x1082  }
0x22: {  	[simem:s7], [sflag:s8] =	dma.local @!p0 [hbm:s6], $0xF7A  }
0x23: {  	s9 =	sor.u32 $0xD0000000, s2;
	s6 =	simm.s32 $0x108;
	_ =	swait.ge @!p0 [sflag:s8], $0x0  }
0x24: {  	s3 =	sadd.s32 $0x88, s3;
	s6 =	simm.s32 @!p1 $0x1082;
	[sflag:s4] =	ssyncset.s32 $0xFFFFF086  }
0x25: {  	[simem:s6], [sflag:s4] =	dma.local [hbm:s3], $0xF7A  }
0x26: {  	[smem:$0x3F99] =	sst s1;
	(tag) =	ssettag s2;
	_ =	strace s9  }
0x27: {  	s1 =	sld [smem:$0x3FA9]  }
0x28: {  	s2 =	sld [smem:$0x3FAA]  }
0x29: {  	s4 =	sld [smem:$0x3FAC]  }
0x2a: {  	p0 =	seq.s32 s5, $0x0;
	s5 =	sld [smem:$0x3FAD]  }
0x2b: {  	s6 =	sld [smem:$0x3FAE]  }
0x2c: {  	s7 =	sld [smem:$0x3FAF]  }
0x2d: {  	s3 =	simm.s32 $0x108;
	s8 =	sld [smem:$0x3FB0]  }
0x2e: {  	s3 =	simm.s32 @!p0 $0x1082;
	s9 =	sld [smem:$0x3FB1]  }
0x2f: {  	lr =	sadd.s32 s0, s3;
	s0 =	sld [smem:$0x3FA8]  }
0x30: {  	s3 =	sld [smem:$0x3FAB]  }
0x31: {  	[smem:$0x3FB4] =	sst s10  }
0x32: {  	s10 =	sld [smem:$0x3FB2];
	_ =	sdelay $0x3  }
0x33: {  	p0 =	seq.s32 s10, $0x1;
	s10 =	sld [smem:$0x3FB4];
	_ =	sdelay $0x3  }
0x34: {  	[smem:$0x3FB4] =	sst s10  }
0x35: {  	s10 =	sld [smem:$0x3FB3];
	_ =	sdelay $0x3  }
0x36: {  	p1 =	seq.s32 s10, $0x1;
	s10 =	sld [smem:$0x3FB4];
	_ =	sdelay $0x3  }
0x37: {  	[smem:$0x3FB4] =	sst s10  }
0x38: {  	s10 =	sld [smem:$0x3FB5]  }
0x39: {  	_ = 	snop;
	(pc) =	sbr.ind lr, $3  }
0x3a: {  	_ = 	snop  }
0x3b: {  	_ = 	snop  }
0x3c: {  	p2 =	seq.s32 s10, $0x1;
	s10 =	sld [smem:$0x3FB4]  }
0x3d: {  	_ =	shalt  }
0x3e: {  	_ =	shalt  }
0x3f: {  	_ =	shalt  }
0x40: {  	_ =	shalt  }
0x41: {  	_ =	shalt  }
0x42: {  	_ =	shalt  }
0x43: {  	_ =	shalt  }
0x44: {  	_ =	shalt  }
0x45: {  	_ =	shalt  }
0x46: {  	_ =	shalt  }
0x47: {  	_ =	shalt  }
0x48: {  	_ =	shalt  }
0x49: {  	_ =	shalt  }
0x4a: {  	_ =	shalt  }
0x4b: {  	_ =	shalt  }
0x4c: {  	_ =	shalt  }
0x4d: {  	_ =	shalt  }
0x4e: {  	_ =	shalt  }
0x4f: {  	_ =	shalt  }
0x50: {  	_ =	shalt  }
0x51: {  	_ =	shalt  }
0x52: {  	_ =	shalt  }
0x53: {  	_ =	shalt  }
0x54: {  	_ =	shalt  }
0x55: {  	_ =	shalt  }
0x56: {  	_ =	shalt  }
0x57: {  	_ =	shalt  }
0x58: {  	_ =	shalt  }
0x59: {  	_ =	shalt  }
0x5a: {  	_ =	shalt  }
0x5b: {  	_ =	shalt  }
0x5c: {  	_ =	shalt  }
0x5d: {  	_ =	shalt  }
0x5e: {  	_ =	shalt  }
0x5f: {  	_ =	shalt  }
0x60: {  	_ =	shalt  }
0x61: {  	_ =	shalt  }
0x62: {  	_ =	shalt  }
0x63: {  	_ =	shalt  }
0x64: {  	_ =	shalt  }
0x65: {  	_ =	shalt  }
0x66: {  	_ =	shalt  }
0x67: {  	_ =	shalt  }
0x68: {  	_ =	shalt  }
0x69: {  	_ =	shalt  }
0x6a: {  	_ =	shalt  }
0x6b: {  	_ =	shalt  }
0x6c: {  	_ =	shalt  }
0x6d: {  	_ =	shalt  }
0x6e: {  	_ =	shalt  }
0x6f: {  	_ =	shalt  }
0x70: {  	_ =	shalt  }
0x71: {  	_ =	shalt  }
0x72: {  	_ =	shalt  }
0x73: {  	_ =	shalt  }
0x74: {  	_ =	shalt  }
0x75: {  	_ =	shalt  }
0x76: {  	_ =	shalt  }
0x77: {  	_ =	shalt  }
0x78: {  	_ =	shalt  }
0x79: {  	_ =	shalt  }
0x7a: {  	_ =	shalt  }
0x7b: {  	_ =	shalt  }
0x7c: {  	_ =	shalt  }
0x7d: {  	_ =	shalt  }
0x7e: {  	_ =	shalt  }
0x7f: {  	_ =	shalt  }
0x80: {  	_ =	shalt  }
0x81: {  	_ =	shalt  }
0x82: {  	_ =	shalt  }
0x83: {  	_ =	shalt  }
0x84: {  	_ =	shalt  }
0x85: {  	_ =	shalt  }
0x86: {  	_ =	shalt  }
0x87: {  	_ =	shalt  }
.Lfunc_end0:
.L_simem_size_0:
called_computation_lowered:
.L_overlay_start_0:
0x88: {  	s2 =	sld [smem:$0x3FD9]  }
0x89: {  	s3 =	sld [smem:$0x3FFE];
	_ =	sdelay $0x1  }
0x8a: {  	s1 =	srdreg.scid  }
0x8b: {  	s0 =	sand.u32 $0x1, s1  }
0x8c: {  	s17 =	sshll.u32 s0, $0xA;
	s2 =	sadd.s32 s3, s2  }
0x8d: {  	s2 =	sadd.s32 s2, s17  }
0x8e: {  	[smem:$0x3FC0] =	sst s2  }
0x8f: {  	_ = 	snop  }
0x90: {  	s2 =	sld [smem:$0x3FC8]  }
0x91: {  	s18 =	sld [smem:$0x3FC7]  }
0x92: {  	s4 =	sld [smem:$0x3FC5]  }
0x93: {  	s5 =	sld [smem:$0x3FC4];
	(tm) =	ssettm $0x1  }
0x94: {  	s6 =	sld [smem:$0x3FFB];
	_ =	sdelay $0x3  }
0x95: {  	_ =	strace s6  }
0x96: {  	s6 =	sld [smem:$0x3FFC];
	_ =	sdelay $0x3  }
0x97: {  	_ =	strace s6  }
0x98: {  	s6 =	sld [smem:$0x3FFD];
	_ =	sdelay $0x3  }
0x99: {  	_ =	strace s6  }
0x9a: {  	_ =	strace $0x8FFFFFFF  }
0x9b: {  	s19 =	sld [smem:$0x3FDB];
	_ =	sdelay $0x1  }
0x9c: {  	s7 =	simm.s32 $_scs_section_size  }
0x9d: {  	s8 =	simm.s32 $_size__tile_overlayer_lowered;
	s9 =	simm.s32 $_tile_overlayer_lowered  }
0x9e: {  	s22 =	simm.s32 $0x1BFF;
	s21 =	sshll.u32 s9, $0x1;
	s6 =	sadd.s32 s7, s19  }
0x9f: {  	s10 =	simm.s32 $0x0;
	s20 =	sshll.u32 s8, $0x1;
	s8 =	sadd.s32 s21, s6  }
0xa0: {  	[timem:s10], [sflag:s22] =	dma.local [hbm:s8], s20  }
0xa1: {  	_ =	swait.ge [sflag:s22], s20  }
0xa2: {  	s7 =	ssub.s32 $0x0, s20;
	[sflag:s22] =	ssyncset.done $0x0  }
0xa3: {  	[sflag:s22] =	ssyncadd.s32 s7;
	_ =	sdelay $0x1  }
0xa4: {  	s23 =	simm.s32 $0x1B8B  }
0xa5: {  	_ =	swait.ge [sflag:s23], $0x1  }
0xa6: {  	[sflag:s23] =	ssyncset.done $0x0  }
0xa7: {  	s25 =	simm.s32 $0x1B8E;
	s24 =	sld [smem:$0x3FFE];
	[sflag:s23] =	ssyncadd.s32 $0xFFFFFFFF  }
0xa8: {  	s26 =	simm.s32 $execute0_lowered;
	[smem:$0x3FD2] =	sst s25  }
0xa9: {  	s8 =	sshll.u32 s26, $0x1;
	_ =	strace $0x80000046;
	[dreg:$0x1] =	wrdreg $0xFFFFFFFF  }
0xaa: {  	s28 =	simm.s32 $_size_execute0_lowered;
	s6 =	sadd.s32 s6, s8;
	[dreg:$0x0] =	wrdreg $0x0  }
0xab: {  	s8 =	sshll.u32 s28, $0x1;
	[dreg:$0x2] =	wrdreg s6  }
0xac: {  	[dreg:$0x3] =	wrdreg s8  }
0xad: {  	[dreg:$0x4] =	wrdreg $0xC0  }
0xae: {  	_ =	task [dreg:s10], $0x5FFFF  }
0xaf: {  	[dreg:$0x1] =	wrdreg $0xFFFFFFFF  }
0xb0: {  	[dreg:$0x0] =	wrdreg $0x60  }
0xb1: {  	[dreg:$0x2] =	wrdreg s18  }
0xb2: {  	[dreg:$0x3] =	wrdreg s2  }
0xb3: {  	[dreg:$0x4] =	wrdreg s5  }
0xb4: {  	[dreg:$0x5] =	wrdreg s4  }
0xb5: {  	[dreg:$0x6] =	wrdreg s24  }
0xb6: {  	[dreg:$0x7] =	wrdreg $0x9  }
0xb7: {  	_ =	task.clear_ibuf [dreg:s10], $0x8FFFF;
	_ =	strace $0x90000046  }
0xb8: {  	s29 =	simm.s32 $0x9;
	_ =	strace $0x80000048  }
0xb9: {  	_ =	swait.ge [sflag:s29], $0x1  }
0xba: {  	[sflag:s29] =	ssyncadd.s32 $0xFFFFFFFF  }
0xbb: {  	_ =	strace $0x90000048  }
0xbc: {  	_ =	sfence  }
0xbd: {  	s30 =	sld [smem:$0x0];
	_ =	sdelay $0x2  }
0xbe: {  	s31 =	sshll.u32 s1, $0xD;
	s1 =	sshrl.u32 s1, $0x2  }
0xbf: {  	s3 =	sand.u32 $0x4000, s31;
	s1 =	sadd.s32 s1, s30  }
0xc0: {  	s0 =	sor.u32 s3, s0;
	s1 =	sshll.u32 s1, $0x11  }
0xc1: {  	s0 =	sor.u32 s1, s0  }
0xc2: {  	s0 =	sadd.s32 $0x8F2B, s0  }
0xc3: {  	[sflag:s0] =	ssyncadd.remote.s32 $0x1  }
0xc4: {  	_ =	sfence.sel $0xFFFF  }
0xc5: {  	[dreg:$0x0] =	wrdreg $0xFFFFFFFF;
	(pc) =	sbr.abs _section_cstart, $3  }
0xc6: {  	[dreg:$0x1] =	wrdreg $0xFFFFFFFF  }
0xc7: {  	_ =	task.clear_ibuf [dreg:s10], $0x2FFFF;
	_ =	strace $0x9FFFFFFF  }
0xc8: {  	(tm) =	ssettm $0x7FFFFFFF  }
0xc9: {  	_ =	shalt  }
tec
execute0_lowered:
.L_overlay_start_1:
0x0: {  	(tag) =	ssettag $0x1  }
0x1: {  	s6 =	rddreg [dreg:$0x0]  }
0x2: {  	s1 =	rddreg [dreg:$0x1]  }
0x3: {  	s3 =	rddreg [dreg:$0x2]  }
0x4: {  	s4 =	rddreg [dreg:$0x3]  }
0x5: {  	s8 =	rddreg [dreg:$0x4]  }
0x6: {  	s5 =	srdreg.scid;
	s0 =	stileid.u32  }
0x7: {  	s11 =	simm.s32 $0x400;
	s12 =	simm.s32 $0xC3800;
	s13 =	simm.s32 $0x80  }
0x8: {  	s14 =	simm.s32 $0x2080;
	s15 =	simm.s32 $0x4080;
	s16 =	simm.s32 $0x6080  }
0x9: {  	s17 =	simm.s32 $0x8080;
	s18 =	simm.s32 $0xA080;
	s19 =	simm.s32 $0xC080  }
0xa: {  	s20 =	simm.s32 $0xE080;
	s21 =	simm.s32 $0x1;
	s22 =	simm.s32 $0x6800  }
0xb: {  	s23 =	simm.s32 $0x10080;
	s7 =	sand.u32 $0x1, s5;
	s9 =	sshll.u32 s0, $0x1  }
0xc: {  	s5 =	simm.s32 $0x0;
	s24 =	sor.u32 s7, s9;
	s7 =	ssub.s32 $0x2, s7  }
.Ltmp0:
0xd: {  	[smem:$0x7FF] =	sst s5;
	s9 =	sshll.u32 s24, $0x7;
	(pc) =	sbr.rel .LBB2_1-.Ltmp0, $4  }
0xe: {  	s10 =	sshrl.u32 s7, $0x1;
	_ =	strace $0x80000047;
	s6 =	sadd.s32 s6, s24  }
0xf: {  	p0 =	sgt.u32 s24, $0x18;
	p1 =	sne.s32 s24, $0x19;
	s24 =	simm.s32 $0x7A1400  }
0x10: {  	s9 =	sadd.s32 s9, s8;
	s10 =	ssub.s32 s7, s10;
	s8 =	sadd.s32 $0x1C80, s8  }
0x11: {  	v0 =	vimm.f32 $0.0e+00;
	s7 =	sadd.s32 $0x1000, s9;
	s9 =	smax.u32 s10, $0x1;
	s10 =	simm.s32 $0x2  }
.LBB2_8:
0x12: {  	_ =	sdelay $0x3  }
0x13: {  	v1 =	vld.idx.msk [tilespmem:v1+s25+$0x0 ss:$0x1], $0xffff;
	[tilespmem:s25+$0x10090] =	vst v0  }
0x14: {  	[tilespmem:s25+$0x100A0] =	vst v0  }
0x15: {  	[tilespmem:s25+$0x100B0] =	vst v0  }
0x16: {  	[tilespmem:s25+$0x100C0] =	vst v0  }
0x17: {  	[tilespmem:s25+$0x100D0] =	vst v0  }
0x18: {  	[tilespmem:s25+$0x100E0] =	vst v0  }
0x19: {  	[tilespmem:s25+$0x100F0] =	vst v0  }
0x1a: {  	[tilespmem:s25+$0x10080] =	vst v1;
	s25 =	smov.u32 s8  }
.LBB2_9:
0x1b: {  	[hbm4b:s25+s11] =	stream.strided.scatter [tilespmem:s23], [sflag:$0x2], $0x2000, s22, s11, $0x38;
	[tilespmem:$0x12080] =	vst v63  }
0x1c: {  	_ =	swait.ge [sflag:s10], $0x2000  }
0x1d: {  	[sflag:s10] =	ssyncset.done $0x0  }
0x1e: {  	[sflag:s10] =	ssyncadd.s32 $0xFFFFE000  }
.LBB2_10:
0x1f: {  	s5 =	sadd.s32 $0x1, s5  }
0x20: {  	p2 =	sne.s32 s5, s9  }
.Ltmp1:
0x21: {  	_ = 	snop;
	(pc) =	sbr.rel @!p2 .LBB2_11-.Ltmp1, $1  }
0x22: {  	_ =	sdelay $0x3  }
.LBB2_1:
.Ltmp2:
0x23: {  	(pc) =	sbr.rel @p0 .LBB2_5-.Ltmp2, $1  }
0x24: {  	_ =	sdelay $0x3  }
0x25: {  	s25 =	simm.s32 $0x0  }
0x26: {  	[tilespmem:s25], [sflag:$0x2] =	stream.linear.gather [hbm4b:s6+s25], $0x8, $0x38;
	[tilespmem:$0x12080] =	vst v63  }
0x27: {  	_ =	swait.ge [sflag:s10], $0x8  }
0x28: {  	[sflag:s10] =	ssyncset.done $0x0  }
0x29: {  	[sflag:s10] =	ssyncadd.s32 $0xFFFFFFF8  }
0x2a: {  	v1 =	vld [tilespmem:$0x0];
	_ =	sdelay $0x4  }
0x2b: {  	v2 =	vand.u32 $0xFFFFFF80, v1  }
0x2c: {  	v2 =	vadd.s32 s3, v2  }
0x2d: {  	(v2sf) =	vpush v2, $0x0;
	_ =	sdelay $0x1  }
0x2e: {  	(v2sf) =	vpush v2, $0x1;
	_ =	sdelay $0x1  }
0x2f: {  	(v2sf) =	vpush v2, $0x2;
	_ =	sdelay $0x1  }
0x30: {  	(v2sf) =	vpush v2, $0x3;
	_ =	sdelay $0x1  }
0x31: {  	(v2sf) =	vpush v2, $0x4;
	_ =	sdelay $0x1  }
0x32: {  	(v2sf) =	vpush v2, $0x5;
	_ =	sdelay $0x1  }
0x33: {  	(v2sf) =	vpush v2, $0x6;
	_ =	sdelay $0x1  }
0x34: {  	(v2sf) =	vpush v2, $0x7  }
0x35: {  	s30 =	spop (v2sf)  }
0x36: {  	[tilespmem:s13], [sflag:$0x1] =	stream.strided.gather [hbm4b:s30+s11], $0x2000, s12, s11, $0x38;
	[tilespmem:$0x12080] =	vst v63  }
0x37: {  	s31 =	spop (v2sf)  }
0x38: {  	[tilespmem:s14], [sflag:$0x1] =	stream.strided.gather [hbm4b:s31+s11], $0x2000, s12, s11, $0x38;
	[tilespmem:$0x12080] =	vst v63  }
0x39: {  	s0 =	spop (v2sf)  }
0x3a: {  	[tilespmem:s15], [sflag:$0x1] =	stream.strided.gather [hbm4b:s0+s11], $0x2000, s12, s11, $0x38;
	[tilespmem:$0x12080] =	vst v63  }
0x3b: {  	s2 =	spop (v2sf)  }
0x3c: {  	[tilespmem:s16], [sflag:$0x1] =	stream.strided.gather [hbm4b:s2+s11], $0x2000, s12, s11, $0x38;
	[tilespmem:$0x12080] =	vst v63  }
0x3d: {  	s26 =	spop (v2sf)  }
0x3e: {  	[tilespmem:s17], [sflag:$0x1] =	stream.strided.gather [hbm4b:s26+s11], $0x2000, s12, s11, $0x38;
	[tilespmem:$0x12080] =	vst v63  }
0x3f: {  	s28 =	spop (v2sf)  }
0x40: {  	[tilespmem:s18], [sflag:$0x1] =	stream.strided.gather [hbm4b:s28+s11], $0x2000, s12, s11, $0x38;
	[tilespmem:$0x12080] =	vst v63  }
0x41: {  	s29 =	spop (v2sf)  }
0x42: {  	[tilespmem:s19], [sflag:$0x1] =	stream.strided.gather [hbm4b:s29+s11], $0x2000, s12, s11, $0x38;
	[tilespmem:$0x12080] =	vst v63  }
0x43: {  	s30 =	spop (v2sf)  }
0x44: {  	[tilespmem:s20], [sflag:$0x1] =	stream.strided.gather [hbm4b:s30+s11], $0x2000, s12, s11, $0x38;
	[tilespmem:$0x12080] =	vst v63  }
0x45: {  	_ =	swait.ge [sflag:s21], $0x2000  }
0x46: {  	[sflag:s21] =	ssyncset.done $0x0  }
0x47: {  	[sflag:s21] =	ssyncadd.s32 $0xFFFFE000  }
0x48: {  	_ =	swait.ge [sflag:s21], $0x2000  }
0x49: {  	[sflag:s21] =	ssyncset.done $0x0  }
0x4a: {  	[sflag:s21] =	ssyncadd.s32 $0xFFFFE000  }
0x4b: {  	_ =	swait.ge [sflag:s21], $0x2000  }
0x4c: {  	[sflag:s21] =	ssyncset.done $0x0  }
0x4d: {  	[sflag:s21] =	ssyncadd.s32 $0xFFFFE000  }
0x4e: {  	_ =	swait.ge [sflag:s21], $0x2000  }
0x4f: {  	[sflag:s21] =	ssyncset.done $0x0  }
0x50: {  	[sflag:s21] =	ssyncadd.s32 $0xFFFFE000  }
0x51: {  	_ =	swait.ge [sflag:s21], $0x2000  }
0x52: {  	[sflag:s21] =	ssyncset.done $0x0  }
0x53: {  	[sflag:s21] =	ssyncadd.s32 $0xFFFFE000  }
0x54: {  	_ =	swait.ge [sflag:s21], $0x2000  }
0x55: {  	[sflag:s21] =	ssyncset.done $0x0  }
0x56: {  	[sflag:s21] =	ssyncadd.s32 $0xFFFFE000  }
0x57: {  	_ =	swait.ge [sflag:s21], $0x2000  }
0x58: {  	[sflag:s21] =	ssyncset.done $0x0  }
0x59: {  	[sflag:s21] =	ssyncadd.s32 $0xFFFFE000  }
0x5a: {  	v1 =	vand.u32 $0x70, v1;
	_ =	swait.ge [sflag:s21], $0x2000  }
0x5b: {  	(v2sf) =	vpush v1, $0x0  }
0x5c: {  	(v2sf) =	vpush v1, $0x1  }
0x5d: {  	(v2sf) =	vpush v1, $0x2  }
0x5e: {  	(v2sf) =	vpush v1, $0x3  }
0x5f: {  	(v2sf) =	vpush v1, $0x4  }
0x60: {  	(v2sf) =	vpush v1, $0x5  }
0x61: {  	(v2sf) =	vpush v1, $0x6  }
0x62: {  	(v2sf) =	vpush v1, $0x7;
	_ =	sdelay $0x7  }
0x63: {  	s25 =	spop (v2sf)  }
0x64: {  	s26 =	spop (v2sf)  }
0x65: {  	s28 =	spop (v2sf)  }
0x66: {  	s29 =	spop (v2sf)  }
0x67: {  	s25 =	sor.u32 $0x80, s25;
	s30 =	spop (v2sf)  }
0x68: {  	[sflag:s21] =	ssyncset.done $0x0;
	v6 =	vmov s25;
	s31 =	spop (v2sf)  }
0x69: {  	s26 =	sor.u32 $0x2080, s26;
	s28 =	sor.u32 $0x4080, s28;
	s0 =	spop (v2sf)  }
0x6a: {  	v3 =	vmov s26;
	s29 =	sor.u32 $0x6080, s29;
	s30 =	sor.u32 $0x8080, s30;
	s2 =	spop (v2sf)  }
0x6b: {  	v8 =	vmov s28;
	v7 =	vmov s29;
	s31 =	sor.u32 $0xA080, s31;
	v4 =	vmov s30;
	s0 =	sor.u32 $0xC080, s0;
	s2 =	sor.u32 $0xE080, s2  }
0x6c: {  	[sflag:s21] =	ssyncadd.s32 $0xFFFFE000;
	s25 =	simm.s32 $0x0;
	s26 =	simm.s32 $0x200;
	v5 =	vmov s31;
	v2 =	vmov s0;
	v1 =	vmov s2  }
.LBB2_3:
0x6d: {  	p2 =	seq.s32 s26, $0x7E00;
	v9 =	vld.idx.msk [tilespmem:v6+s25+$0x0 ss:$0x1], $0xffff;
	_ =	sdelay $0x5  }
0x6e: {  	[tilespmem:s25+$0x10080] =	vst v9  }
0x6f: {  	v9 =	vld.idx.msk [tilespmem:v3+s25+$0x0 ss:$0x1], $0xffff;
	_ =	sdelay $0x5  }
0x70: {  	[tilespmem:s25+$0x10090] =	vst v9  }
0x71: {  	v9 =	vld.idx.msk [tilespmem:v8+s25+$0x0 ss:$0x1], $0xffff;
	_ =	sdelay $0x5  }
0x72: {  	[tilespmem:s25+$0x100A0] =	vst v9  }
0x73: {  	v9 =	vld.idx.msk [tilespmem:v7+s25+$0x0 ss:$0x1], $0xffff;
	_ =	sdelay $0x5  }
0x74: {  	[tilespmem:s25+$0x100B0] =	vst v9  }
0x75: {  	v9 =	vld.idx.msk [tilespmem:v4+s25+$0x0 ss:$0x1], $0xffff;
	_ =	sdelay $0x5  }
0x76: {  	[tilespmem:s25+$0x100C0] =	vst v9  }
0x77: {  	v9 =	vld.idx.msk [tilespmem:v5+s25+$0x0 ss:$0x1], $0xffff;
	_ =	sdelay $0x5  }
0x78: {  	[tilespmem:s25+$0x100D0] =	vst v9  }
0x79: {  	v9 =	vld.idx.msk [tilespmem:v2+s25+$0x0 ss:$0x1], $0xffff;
	_ =	sdelay $0x5  }
0x7a: {  	[tilespmem:s25+$0x100E0] =	vst v9  }
0x7b: {  	v9 =	vld.idx.msk [tilespmem:v1+s25+$0x0 ss:$0x1], $0xffff;
	_ =	sdelay $0x1  }
.Ltmp3:
0x7c: {  	(pc) =	sbr.rel @!p2 .LBB2_3-.Ltmp3, $2  }
0x7d: {  	_ =	sdelay $0x2  }
0x7e: {  	[tilespmem:s25+$0x100F0] =	vst v9;
	s25 =	sshra.s32 s26, $0x2;
	s26 =	sadd.s32 $0x200, s26  }
0x7f: {  	_ =	sdelay $0x3  }
0x80: {  	v6 =	vld.idx.msk [tilespmem:v6+s25+$0x0 ss:$0x1], $0xffff;
	_ =	sdelay $0x4  }
0x81: {  	[tilespmem:s25+$0x10080] =	vst v6  }
0x82: {  	v3 =	vld.idx.msk [tilespmem:v3+s25+$0x0 ss:$0x1], $0xffff;
	_ =	sdelay $0x4  }
0x83: {  	[tilespmem:s25+$0x10090] =	vst v3  }
0x84: {  	v3 =	vld.idx.msk [tilespmem:v8+s25+$0x0 ss:$0x1], $0xffff;
	_ =	sdelay $0x4  }
0x85: {  	[tilespmem:s25+$0x100A0] =	vst v3  }
0x86: {  	v3 =	vld.idx.msk [tilespmem:v7+s25+$0x0 ss:$0x1], $0xffff;
	_ =	sdelay $0x4  }
0x87: {  	[tilespmem:s25+$0x100B0] =	vst v3  }
0x88: {  	v3 =	vld.idx.msk [tilespmem:v4+s25+$0x0 ss:$0x1], $0xffff;
	_ =	sdelay $0x4  }
0x89: {  	[tilespmem:s25+$0x100C0] =	vst v3  }
0x8a: {  	v3 =	vld.idx.msk [tilespmem:v5+s25+$0x0 ss:$0x1], $0xffff;
	_ =	sdelay $0x4  }
0x8b: {  	[tilespmem:s25+$0x100D0] =	vst v3  }
0x8c: {  	v2 =	vld.idx.msk [tilespmem:v2+s25+$0x0 ss:$0x1], $0xffff;
	_ =	sdelay $0x4  }
0x8d: {  	[tilespmem:s25+$0x100E0] =	vst v2  }
0x8e: {  	v1 =	vld.idx.msk [tilespmem:v1+s25+$0x0 ss:$0x1], $0xffff  }
.Ltmp4:
0x8f: {  	_ = 	snop;
	(pc) =	sbr.rel .LBB2_9-.Ltmp4, $2  }
0x90: {  	_ =	sdelay $0x2  }
0x91: {  	[tilespmem:s25+$0x100F0] =	vst v1;
	s25 =	smov.u32 s7  }
.LBB2_5:
.Ltmp5:
0x92: {  	(pc) =	sbr.rel @p1 .LBB2_10-.Ltmp5, $1  }
0x93: {  	_ =	sdelay $0x3  }
0x94: {  	s0 =	simm.s32 $0x0  }
0x95: {  	[tilespmem:s0], [sflag:$0x2] =	stream.linear.gather [hbm4b:s1+s0], $0x1, $0x38;
	[tilespmem:$0x12080] =	vst v63  }
0x96: {  	_ =	swait.ge [sflag:s10], $0x1  }
0x97: {  	[sflag:s10] =	ssyncset.done $0x0  }
0x98: {  	[sflag:s10] =	ssyncadd.s32 $0xFFFFFFFF  }
0x99: {  	v1 =	vld [tilespmem:$0x0];
	_ =	sdelay $0x4  }
0x9a: {  	(v2sf) =	vpush v1, $0x0;
	_ =	sdelay $0xe  }
0x9b: {  	s31 =	spop (v2sf)  }
0x9c: {  	s0 =	sand.u32 $0x70, s31  }
0x9d: {  	s2 =	sand.u32 $0xFFFFF80, s31;
	s0 =	sor.u32 $0x80, s0  }
0x9e: {  	s2 =	sadd.s32 s4, s2;
	v1 =	vmov s0  }
0x9f: {  	[tilespmem:s13], [sflag:$0x1] =	stream.strided.gather [hbm4b:s2+s11], $0x2000, s24, s11, $0x38;
	[tilespmem:$0x12080] =	vst v63  }
0xa0: {  	_ =	swait.ge [sflag:s21], $0x2000  }
0xa1: {  	[sflag:s21] =	ssyncset.done $0x0  }
0xa2: {  	s25 =	simm.s32 $0x0;
	s26 =	simm.s32 $0x200;
	[sflag:s21] =	ssyncadd.s32 $0xFFFFE000  }
.LBB2_7:
0xa3: {  	p2 =	sne.s32 s26, $0x7E00;
	v2 =	vld.idx.msk [tilespmem:v1+s25+$0x0 ss:$0x1], $0xffff;
	[tilespmem:s25+$0x10090] =	vst v0  }
0xa4: {  	[tilespmem:s25+$0x100A0] =	vst v0  }
0xa5: {  	[tilespmem:s25+$0x100B0] =	vst v0  }
.Ltmp6:
0xa6: {  	[tilespmem:s25+$0x100C0] =	vst v0;
	(pc) =	sbr.rel @p2 .LBB2_7-.Ltmp6, $4  }
0xa7: {  	[tilespmem:s25+$0x100D0] =	vst v0  }
0xa8: {  	[tilespmem:s25+$0x100E0] =	vst v0  }
0xa9: {  	[tilespmem:s25+$0x10080] =	vst v2  }
0xaa: {  	[tilespmem:s25+$0x100F0] =	vst v0;
	s25 =	sshra.s32 s26, $0x2;
	s26 =	sadd.s32 $0x200, s26  }
.Ltmp7:
0xab: {  	_ = 	snop;
	(pc) =	sbr.rel .LBB2_8-.Ltmp7, $1  }
0xac: {  	_ =	sdelay $0x3  }
.LBB2_11:
0xad: {  	_ =	sfence.sel $0x180000  }
0xae: {  	[bflag:$0x0] =	sbarrier.arrive $0xFFFF  }
0xaf: {  	_ =	strace $0x90000047  }
0xb0: {  	s0 =	stileid.u32;
	[bflag:$0x2] =	sbarrier.arrive $0xFFFF  }
0xb1: {  	p0 =	sne.s32 s0, $0x0;
	s0 =	rddreg [dreg:$0x5]  }
0xb2: {  	s0 =	sadd.s32 @!p0 $0x100000, s0  }
0xb3: {  	[sflag:s0] =	ssyncadd.tile.s32 @!p0 $0x1;
	_ =	shalt  }
.Lfunc_end2:
_tile_overlayer_lowered:
.L_overlay_start_2:
0xb4: {  	(tag) =	ssettag $0x2  }
0xb5: {  	s0 =	rddreg [dreg:$0x0];
	s2 =	stileid.u32  }
0xb6: {  	s1 =	rddreg [dreg:$0x1];
	p0 =	sne.s32 s2, $0x0  }
0xb7: {  	s3 =	rddreg [dreg:$0x2];
	[bflag:$0x3] =	sbarrier.arrive $0xFFFF;
	s2 =	simm.s32 @!p0 $0x1C02  }
0xb8: {  	[timem:s3], [sflag:s2] =	dma.local @!p0 [hbm:s0], s1  }
0xb9: {  	s0 =	simm.s32 @!p0 $0x2  }
0xba: {  	_ =	swait.ge @!p0 [sflag:s0], s1  }
0xbb: {  	s1 =	ssub.s32 @!p0 $0x0, s1;
	[sflag:s0] =	ssyncset.done @!p0 $0x0  }
0xbc: {  	[sflag:s0] =	ssyncadd.s32 @!p0 s1  }
0xbd: {  	[bflag:$0x3] =	sbarrier.arrive $0xFFFF  }
0xbe: {  	_ =	shalt  }

</sc_bundles>
